<compile_context>
chip_gen: v7x
topology: tpu7x:2x2x1
jax: 0.10.2.dev20260603
libtpu: 0.0.44.dev20260713+nightly
codegen_flags: <defaults>
</compile_context>

<pallas_src>
import functools

import jax
import jax.numpy as jnp
from jax import lax
from jax.experimental import pallas as pl
from jax.experimental.pallas import tpu as pltpu
from jax.experimental.pallas import tpu_sc as plsc

C = 1024
WN = 128
NSTAT = 10000
NPAD = 10240
IDX_CHUNK = 128


def _sc_gather(table, idx, s_pad):
  info = plsc.get_sparse_core_info()
  nworkers = info.num_cores * info.num_subcores
  per_w = s_pad // nworkers
  n_chunks = per_w // IDX_CHUNK
  mesh = plsc.VectorSubcoreMesh(core_axis_name="c", subcore_axis_name="s")

  @functools.partial(
      pl.kernel,
      mesh=mesh,
      compiler_params=pltpu.CompilerParams(use_tc_tiling_on_sc=False),
      out_type=jax.ShapeDtypeStruct((s_pad, 8), jnp.int32),
      scratch_types=[
          pltpu.VMEM((IDX_CHUNK,), jnp.int32),
          pltpu.VMEM((IDX_CHUNK, 8), jnp.int32),
          pltpu.SemaphoreType.DMA,
      ],
  )
  def gather_kernel(table_hbm, idx_hbm, out_hbm, idx_v, rows_v, sem):
    wid = lax.axis_index("s") * info.num_cores + lax.axis_index("c")
    base = wid * per_w

    def body(i, carry):
      off = base + i * IDX_CHUNK
      pltpu.sync_copy(idx_hbm.at[pl.ds(off, IDX_CHUNK)], idx_v)
      pltpu.async_copy(table_hbm.at[idx_v], rows_v, sem).wait()
      pltpu.sync_copy(rows_v, out_hbm.at[pl.ds(off, IDX_CHUNK)])
      return carry

    lax.fori_loop(0, n_chunks, body, 0)

  return gather_kernel(table, idx)


def _popcount32(x):
  x = x - (lax.shift_right_logical(x, 1) & 0x55555555)
  x = (x & 0x33333333) + (lax.shift_right_logical(x, 2) & 0x33333333)
  x = (x + lax.shift_right_logical(x, 4)) & 0x0F0F0F0F
  return lax.shift_right_logical(x * 0x01010101, 24)


def _attn_body(q_smem, seg_ref, words_ref, out_ref, l_ref, *, nchunks, nb):
  c = pl.program_id(0)

  @pl.when(c == 0)
  def _init():
    l_ref[...] = jnp.zeros_like(l_ref)
    out_ref[...] = jnp.zeros_like(out_ref)

  seg = seg_ref[0, 0, :]
  words = words_ref[...]

  es_rows = []
  for b in range(nb):
    match = _popcount32(words[0, :] & q_smem[b, 0])
    okc = _popcount32(words[4, :] & q_smem[b, 4])
    for j in range(1, 4):
      match = match + _popcount32(words[j, :] & q_smem[b, j])
      okc = okc + _popcount32(words[4 + j, :] & q_smem[b, 4 + j])
    sim = (match.astype(jnp.float32) / okc.astype(jnp.float32)).reshape(1, C)
    es_rows.append(jnp.exp(sim - 64.0))

  sub = lax.broadcasted_iota(jnp.int32, (32, C), 0)
  shift = 8 * (sub // 8) + 7 - (sub % 8)
  bits_list = []
  for j in range(4):
    w = words[j, :].reshape(1, C)
    bits_list.append(lax.shift_right_logical(w, shift) & 1)
  bits_t = jnp.concatenate(bits_list, axis=0).astype(jnp.float32)

  seg1 = seg.reshape(1, C)
  n_lo = jnp.min(seg)
  n_hi = jnp.max(seg)
  w0 = n_lo // WN
  nwin = n_hi // WN - w0 + 1

  def win_body(w, carry):
    nw = (w0 + w) * WN
    win_rows = nw + lax.broadcasted_iota(jnp.int32, (WN, C), 0)
    oht = (win_rows == seg1).astype(jnp.float32)
    e_parts = []
    for b in range(nb):
      e_t = oht * es_rows[b]
      l_ref[pl.ds(nw, WN), b:b + 1] = (
          l_ref[pl.ds(nw, WN), b:b + 1]
          + jnp.sum(e_t, axis=1, keepdims=True))
      e_parts.append(e_t)
    e_all = jnp.concatenate(e_parts, axis=0)
    contrib = lax.dot_general(
        e_all, bits_t, (((1,), (1,)), ((), ())),
        preferred_element_type=jnp.float32)
    for b in range(nb):
      out_ref[b, pl.ds(nw, WN), :] = (
          out_ref[b, pl.ds(nw, WN), :] + contrib[b * WN:(b + 1) * WN, :])
    return carry

  lax.fori_loop(0, nwin, win_body, 0)

  @pl.when(c == nchunks - 1)
  def _finalize():
    l = l_ref[...]
    l_safe = jnp.where(l == 0.0, 1.0, l)
    for b in range(nb):
      out_ref[b] = out_ref[b] / l_safe[:, b:b + 1]


def _attn_tc(q_all, seg_r, words, s_pad):
  nchunks = s_pad // C
  nb = q_all.shape[0]
  return pl.pallas_call(
      functools.partial(_attn_body, nchunks=nchunks, nb=nb),
      grid=(nchunks,),
      in_specs=[
          pl.BlockSpec(memory_space=pltpu.SMEM),
          pl.BlockSpec((1, 1, C), lambda c: (c, 0, 0)),
          pl.BlockSpec((8, C), lambda c: (0, c)),
      ],
      out_specs=pl.BlockSpec((nb, NPAD, 128), lambda c: (0, 0, 0)),
      out_shape=jax.ShapeDtypeStruct((nb, NPAD, 128), jnp.float32),
      scratch_shapes=[
          pltpu.VMEM((NPAD, 8), jnp.float32),
      ],
  )(q_all, seg_r, words)


def _proj_body(v_ref, w_ref, bias_ref, out_ref):
  out_ref[0] = lax.dot_general(
      v_ref[0], w_ref[...], (((1,), (0,)), ((), ())),
      preferred_element_type=jnp.float32) + bias_ref[...]


def _proj_tc(v_norm, w_o, bias):
  b = v_norm.shape[0]
  return pl.pallas_call(
      _proj_body,
      grid=(b, NPAD // WN),
      in_specs=[
          pl.BlockSpec((1, WN, 128), lambda b, i: (b, i, 0)),
          pl.BlockSpec((128, 128), lambda b, i: (0, 0)),
          pl.BlockSpec((1, 128), lambda b, i: (0, 0)),
      ],
      out_specs=pl.BlockSpec((1, WN, 128), lambda b, i: (b, i, 0)),
      out_shape=jax.ShapeDtypeStruct((b, NPAD, 128), jnp.float32),
  )(v_norm, w_o, bias)


def kernel(Q, Q_ok, ok_pos, refs, ref2seg, segments, N, W_o, b_o):
  B = Q.shape[0]
  R = refs.shape[0]
  S = ref2seg.shape[0]
  segments = segments + (jnp.asarray(N) - NSTAT).astype(segments.dtype)

  refs_w = lax.bitcast_convert_type(refs.reshape(R, 4, 4), jnp.int32)
  okp_w = lax.bitcast_convert_type(ok_pos.reshape(R, 4, 4), jnp.int32)
  table = jnp.concatenate([refs_w, okp_w], axis=1)
  q_w = lax.bitcast_convert_type(Q.reshape(B, 4, 4), jnp.int32)
  qok_w = lax.bitcast_convert_type(Q_ok.reshape(B, 4, 4), jnp.int32)
  q_all = jnp.concatenate([q_w, qok_w], axis=1)

  unit = 32 * IDX_CHUNK
  s_pad = ((S + unit - 1) // unit) * unit
  s_pad = ((s_pad + C - 1) // C) * C
  idx_pad = jnp.pad(ref2seg.astype(jnp.int32), (0, s_pad - S))
  gathered = _sc_gather(table, idx_pad, s_pad)
  words = gathered.T
  seg_pad = jnp.pad(segments.astype(jnp.int32), (0, s_pad - S),
                    constant_values=NPAD - 1)
  seg_r = seg_pad.reshape(s_pad // C, 1, C)

  v_norm = _attn_tc(q_all, seg_r, words, s_pad)
  z_pad = _proj_tc(v_norm, W_o, b_o.reshape(1, 128))
  return z_pad[:, :NSTAT, :]

# --- scband reference (transcript-rebuilt; emitter-appended) ---
"""Pipeline reference for scband-seqsim-atn-76716705841641 (READ-ONLY COPY).

The authoritative reference and input builder live on the scoring server;
editing this copy changes nothing except your own understanding.
"""

import jax, jax.numpy as jnp
import numpy as np


def _seqsim(q, ok_query, ok_pos, refs):
    ok = jnp.bitwise_and(ok_query, ok_pos)
    ok = jnp.sum(jax.lax.population_count(ok), axis=1)
    match = jnp.bitwise_and(q, refs)
    match_tots = jnp.sum(jax.lax.population_count(match), axis=1)
    return match_tots / ok


def _sparse_softmax2(X, inds, seg, num_seg):
    applied = jnp.take(X, inds)
    max_terms = jnp.take(jax.ops.segment_max(applied, seg, num_segments=num_seg), seg)
    applied = applied - max_terms
    norm_terms = jnp.take(jnp.log(jax.ops.segment_sum(jnp.exp(applied), seg, num_segments=num_seg)), seg)
    return jnp.exp(applied - norm_terms)


def _qkv_seqdist(q, ok_query, ok_pos, refs, ref2seg, segments, N):
    dists = _seqsim(q, ok_query, ok_pos, refs)
    scores = _sparse_softmax2(dists, ref2seg, segments, N)
    values = jnp.unpackbits(refs, axis=1)
    applied_values = jnp.take(values, ref2seg, axis=0)
    applied_values = applied_values * jnp.expand_dims(scores, 1)
    return jax.ops.segment_sum(applied_values, segments, num_segments=N)


def setup_inputs(seed: int = 0) -> dict:
    key = jax.random.key(seed)
    ks = jax.random.split(key, 8)
    B, d_packed, R, S, N, d_bits, out_dim = 4, 16, 50000, 160000, 10000, 128, 128
    Q = jax.random.randint(ks[0], (B, d_packed), 0, 256, dtype=jnp.int32).astype(jnp.uint8)
    Q_ok = jax.random.randint(ks[1], (B, d_packed), 0, 256, dtype=jnp.int32).astype(jnp.uint8)
    ok_pos = jax.random.randint(ks[2], (R, d_packed), 0, 256, dtype=jnp.int32).astype(jnp.uint8)
    refs = jax.random.randint(ks[3], (R, d_packed), 0, 256, dtype=jnp.int32).astype(jnp.uint8)
    ref2seg = jax.random.randint(ks[4], (S,), 0, R, dtype=jnp.int32)
    segments = jnp.sort(jax.random.randint(ks[5], (S,), 0, N, dtype=jnp.int32))
    W_o = jax.random.normal(ks[6], (d_bits, out_dim), dtype=jnp.float32) * (1.0 / np.sqrt(d_bits))
    b_o = jnp.zeros((out_dim,), dtype=jnp.float32)
    return {"Q": Q, "Q_ok": Q_ok, "ok_pos": ok_pos, "refs": refs, "ref2seg": ref2seg, "segments": segments, "N": N, "W_o": W_o, "b_o": b_o}


def reference(Q, Q_ok, ok_pos, refs, ref2seg, segments, N, W_o, b_o):
    N_static = 10000
    segments = segments + (jnp.asarray(N) - N_static).astype(segments.dtype)
    V = jax.vmap(lambda q, okq: _qkv_seqdist(q, okq, ok_pos, refs, ref2seg, segments, N_static))(Q, Q_ok)
    z = V @ jnp.expand_dims(W_o, 0) + b_o
    return z

if __name__ == "__main__":
    import jax
    _d = setup_inputs()
    print(jax.jit(kernel)(*tuple(_d.values())))

</pallas_src>

<mosaic_0001>
#map = affine_map<(d0, d1) -> (0, 0)>
#map1 = affine_map<(d0, d1) -> (0)>
module attributes {stable_mosaic.version = 14 : i64} {
  func.func @gather_kernel(%arg0: i32, %arg1: i32, %arg2: memref<50000x8xi32, #tpu.memory_space<hbm>>, %arg3: memref<163840xi32, #tpu.memory_space<hbm>>, %arg4: memref<163840x8xi32, #tpu.memory_space<hbm>>, %arg5: memref<128xi32, #tpu.memory_space<vmem>>, %arg6: memref<128x8xi32, #tpu.memory_space<vmem>>, %arg7: memref<!tpu.dma_semaphore, #tpu.memory_space<semaphore_mem>>) attributes {dimension_semantics = [#tpu.dimension_semantics<core_parallel>, #tpu.dimension_semantics<subcore_parallel>], iteration_bounds = array<i64: 2, 16>, scalar_prefetch = 0 : i64, scratch_operands = 3 : i64, tpu.core_type = #tpu.core_type<sc_vector_subcore>, window_params = [{transform_indices = #map}, {transform_indices = #map1}, {transform_indices = #map}]} {
    %mul3A = arith.constant 2 : i32
    %mul3A_0 = arith.muli %arg1, %mul3A : i32
    %add3A = arith.addi %mul3A_0, %arg0 : i32
    %mul3A_1 = arith.constant 5120 : i32
    %mul3A_2 = arith.muli %add3A, %mul3A_1 : i32
    %scan3A = arith.constant 0 : i32
    %scan3A_3 = arith.constant 0 : i32
    %scan3A_4 = arith.constant 40 : i32
    %scan3A_5 = arith.addi %scan3A_3, %scan3A_4 : i32
    %scan3A_6 = arith.constant 1 : i32
    scf.for %scan3A_8 = %scan3A_3 to %scan3A_5 step %scan3A_6  : i32 {
      %mul3A_9 = arith.constant 128 : i32
      %mul3A_10 = arith.muli %scan3A_8, %mul3A_9 : i32
      %add3A_11 = arith.addi %mul3A_2, %mul3A_10 : i32
      "tpu.region"() ({
        %run_scoped3A = tpu.sem_alloc : memref<!tpu.dma_semaphore, #tpu.memory_space<semaphore_mem>>
        %dma_start3A_16 = tpu.memref_slice %arg3[%add3A_11] : memref<163840xi32, #tpu.memory_space<hbm>> -> memref<128xi32, #tpu.memory_space<hbm>>
        %dma_start3A_17 = tpu.memref_slice %arg3[%add3A_11] : memref<163840xi32, #tpu.memory_space<hbm>> -> memref<128xi32, #tpu.memory_space<hbm>>
        tpu.enqueue_dma source(%dma_start3A_17 : memref<128xi32, #tpu.memory_space<hbm>>) target(%arg5 : memref<128xi32, #tpu.memory_space<vmem>>) target_semaphore(%run_scoped3A : memref<!tpu.dma_semaphore, #tpu.memory_space<semaphore_mem>>)
        %dma_wait3A_18 = tpu.memref_slice %arg3[%add3A_11] : memref<163840xi32, #tpu.memory_space<hbm>> -> memref<128xi32, #tpu.memory_space<hbm>>
        %dma_wait3A_19 = tpu.memref_slice %arg3[%add3A_11] : memref<163840xi32, #tpu.memory_space<hbm>> -> memref<128xi32, #tpu.memory_space<hbm>>
        tpu.wait_dma2 semaphore(%run_scoped3A : memref<!tpu.dma_semaphore, #tpu.memory_space<semaphore_mem>>) src(%dma_wait3A_19 : memref<128xi32, #tpu.memory_space<hbm>>) dst(%arg5 : memref<128xi32, #tpu.memory_space<vmem>>)
        tpu.yield
      }) : () -> ()
      %dma_start3A = arith.constant 0 : i32
      %dma_start3A_12 = arith.constant 0 : i32
      %dma_start3A_13 = tpu.memref_slice %arg2[%dma_start3A, %dma_start3A_12] : memref<50000x8xi32, #tpu.memory_space<hbm>> -> memref<50000x8xi32, #tpu.memory_space<hbm>>
      tpu.enqueue_indirect_dma source(%dma_start3A_13 : memref<50000x8xi32, #tpu.memory_space<hbm>>) target(%arg6 : memref<128x8xi32, #tpu.memory_space<vmem>>) offsets(%arg5 : memref<128xi32, #tpu.memory_space<vmem>>) semaphore(%arg7 : memref<!tpu.dma_semaphore, #tpu.memory_space<semaphore_mem>>)
      %dma_wait3A = arith.constant 0 : i32
      %dma_wait3A_14 = arith.constant 0 : i32
      %dma_wait3A_15 = tpu.memref_slice %arg2[%dma_wait3A, %dma_wait3A_14] : memref<50000x8xi32, #tpu.memory_space<hbm>> -> memref<50000x8xi32, #tpu.memory_space<hbm>>
      tpu.wait_indirect_dma semaphore(%arg7 : memref<!tpu.dma_semaphore, #tpu.memory_space<semaphore_mem>>) src(%dma_wait3A_15 : memref<50000x8xi32, #tpu.memory_space<hbm>>) dst(%arg6 : memref<128x8xi32, #tpu.memory_space<vmem>>)
      "tpu.region"() ({
        %run_scoped3A = tpu.sem_alloc : memref<!tpu.dma_semaphore, #tpu.memory_space<semaphore_mem>>
        %dma_start3A_16 = arith.constant 0 : i32
        %dma_start3A_17 = tpu.memref_slice %arg4[%add3A_11, %dma_start3A_16] : memref<163840x8xi32, #tpu.memory_space<hbm>> -> memref<128x8xi32, #tpu.memory_space<hbm>>
        %dma_start3A_18 = arith.constant 0 : i32
        %dma_start3A_19 = tpu.memref_slice %arg4[%add3A_11, %dma_start3A_18] : memref<163840x8xi32, #tpu.memory_space<hbm>> -> memref<128x8xi32, #tpu.memory_space<hbm>>
        tpu.enqueue_dma source(%arg6 : memref<128x8xi32, #tpu.memory_space<vmem>>) target(%dma_start3A_19 : memref<128x8xi32, #tpu.memory_space<hbm>>) target_semaphore(%run_scoped3A : memref<!tpu.dma_semaphore, #tpu.memory_space<semaphore_mem>>)
        %dma_wait3A_20 = arith.constant 0 : i32
        %dma_wait3A_21 = tpu.memref_slice %arg4[%add3A_11, %dma_wait3A_20] : memref<163840x8xi32, #tpu.memory_space<hbm>> -> memref<128x8xi32, #tpu.memory_space<hbm>>
        %dma_wait3A_22 = arith.constant 0 : i32
        %dma_wait3A_23 = tpu.memref_slice %arg4[%add3A_11, %dma_wait3A_22] : memref<163840x8xi32, #tpu.memory_space<hbm>> -> memref<128x8xi32, #tpu.memory_space<hbm>>
        tpu.wait_dma2 semaphore(%run_scoped3A : memref<!tpu.dma_semaphore, #tpu.memory_space<semaphore_mem>>) src(%arg6 : memref<128x8xi32, #tpu.memory_space<vmem>>) dst(%dma_wait3A_23 : memref<128x8xi32, #tpu.memory_space<hbm>>)
        tpu.yield
      }) : () -> ()
    }
    %scan3A_7 = arith.constant 40 : i32
    return
  }
}

module attributes {stable_mosaic.version = 14 : i64} {
  func.func @_proj_body(%arg0: i32, %arg1: i32, %arg2: memref<1x128x128xf32, #tpu.memory_space<vmem>>, %arg3: memref<128x128xf32, #tpu.memory_space<vmem>>, %arg4: memref<1x128xf32, #tpu.memory_space<vmem>>, %arg5: memref<1x128x128xf32, #tpu.memory_space<vmem>>) attributes {dimension_semantics = [#tpu.dimension_semantics<arbitrary>, #tpu.dimension_semantics<arbitrary>], iteration_bounds = array<i64: 4, 80>, scalar_prefetch = 0 : i64, scratch_operands = 0 : i64, tpu.core_type = #tpu.core_type<tc>, window_params = [{transform_indices = @transform_0, window_bounds = array<i64: 1, 128, 128>}, {pipeline_mode = #tpu.pipeline_mode<synchronous>, transform_indices = @transform_1, window_bounds = array<i64: 128, 128>}, {pipeline_mode = #tpu.pipeline_mode<synchronous>, transform_indices = @transform_2, window_bounds = array<i64: 1, 128>}, {transform_indices = @transform_3, window_bounds = array<i64: 1, 128, 128>}]} {
    %get3A = arith.constant 0 : index
    %get3A_0 = arith.constant 0 : index
    %get3A_1 = arith.constant 0 : index
    %get3A_2 = vector.load %arg2[%get3A, %get3A_0, %get3A_1] : memref<1x128x128xf32, #tpu.memory_space<vmem>>, vector<1x128x128xf32>
    %get3A_3 = vector.shape_cast %get3A_2 : vector<1x128x128xf32> to vector<128x128xf32>
    %get3A_4 = arith.constant 0 : index
    %get3A_5 = arith.constant 0 : index
    %get3A_6 = vector.load %arg3[%get3A_4, %get3A_5] : memref<128x128xf32, #tpu.memory_space<vmem>>, vector<128x128xf32>
    %dot_general3A = arith.constant dense<0.000000e+00> : vector<128x128xf32>
    %dot_general3A_7 = tpu.matmul %get3A_3, %get3A_6, %dot_general3A {dimension_numbers = #tpu.dot_dimension_numbers<[1], [0], [0], [1], [0, 0, 1, 1], [], []>, transpose_lhs_hint = false} : vector<128x128xf32>, vector<128x128xf32>, vector<128x128xf32> -> vector<128x128xf32>
    %get3A_8 = arith.constant 0 : index
    %get3A_9 = arith.constant 0 : index
    %get3A_10 = vector.load %arg4[%get3A_8, %get3A_9] : memref<1x128xf32, #tpu.memory_space<vmem>>, vector<1x128xf32>
    %add3A = vector.broadcast %get3A_10 : vector<1x128xf32> to vector<128x128xf32>
    %add3A_11 = arith.addf %dot_general3A_7, %add3A : vector<128x128xf32>
    %swap3A = arith.constant 0 : index
    %swap3A_12 = arith.constant 0 : index
    %swap3A_13 = arith.constant 0 : index
    %swap3A_14 = vector.load %arg5[%swap3A, %swap3A_12, %swap3A_13] : memref<1x128x128xf32, #tpu.memory_space<vmem>>, vector<1x128x128xf32>
    %swap3A_15 = vector.shape_cast %swap3A_14 : vector<1x128x128xf32> to vector<128x128xf32>
    %swap3A_16 = vector.shape_cast %add3A_11 : vector<128x128xf32> to vector<1x128x128xf32>
    tpu.vector_store %arg5[%swap3A, %swap3A_12, %swap3A_13], %swap3A_16 {strides = array<i32>} : memref<1x128x128xf32, #tpu.memory_space<vmem>>, vector<1x128x128xf32>,
    return
  }
  func.func @transform_0(%arg0: i32, %arg1: i32) -> (i32, i32, i32) {
    %c0_i32 = arith.constant 0 : i32
    %c0_i32_0 = arith.constant 0 : i32
    return %arg0, %arg1, %c0_i32 : i32, i32, i32
  }
  func.func @transform_1(%arg0: i32, %arg1: i32) -> (i32, i32) {
    %c0_i32 = arith.constant 0 : i32
    %c0_i32_0 = arith.constant 0 : i32
    %c0_i32_1 = arith.constant 0 : i32
    return %c0_i32, %c0_i32_0 : i32, i32
  }
  func.func @transform_2(%arg0: i32, %arg1: i32) -> (i32, i32) {
    %c0_i32 = arith.constant 0 : i32
    %c0_i32_0 = arith.constant 0 : i32
    %c0_i32_1 = arith.constant 0 : i32
    return %c0_i32, %c0_i32_0 : i32, i32
  }
  func.func @transform_3(%arg0: i32, %arg1: i32) -> (i32, i32, i32) {
    %c0_i32 = arith.constant 0 : i32
    %c0_i32_0 = arith.constant 0 : i32
    return %arg0, %arg1, %c0_i32 : i32, i32, i32
  }
}

module attributes {stable_mosaic.version = 14 : i64} {
  func.func @_attn_body(%arg0: i32, %arg1: memref<4x8xi32, #tpu.memory_space<smem>>, %arg2: memref<1x1x1024xi32, #tpu.memory_space<vmem>>, %arg3: memref<8x1024xi32, #tpu.memory_space<vmem>>, %arg4: memref<4x10240x128xf32, #tpu.memory_space<vmem>>, %arg5: memref<10240x8xf32, #tpu.memory_space<vmem>>) attributes {dimension_semantics = [#tpu.dimension_semantics<arbitrary>], iteration_bounds = array<i64: 160>, scalar_prefetch = 0 : i64, scratch_operands = 1 : i64, tpu.core_type = #tpu.core_type<tc>, window_params = [{transform_indices = @transform_0, window_bounds = array<i64: 4, 8>}, {transform_indices = @transform_1, window_bounds = array<i64: 1, 1, 1024>}, {transform_indices = @transform_2, window_bounds = array<i64: 8, 1024>}, {pipeline_mode = #tpu.pipeline_mode<synchronous>, transform_indices = @transform_3, window_bounds = array<i64: 4, 10240, 128>}]} {
    %eq3A = arith.constant 0 : i32
    %eq3A_0 = arith.cmpi eq, %arg0, %eq3A : i32
    %convert_element_type3A = arith.extui %eq3A_0 : i1 to i32
    %cond3A = arith.constant 0 : i32
    %cond3A_1 = arith.cmpi ne, %convert_element_type3A, %cond3A : i32
    scf.if %cond3A_1 {
      %broadcast_in_dim3A = arith.constant 0.000000e+00 : f32
      %broadcast_in_dim3A_1400 = vector.broadcast %broadcast_in_dim3A : f32 to vector<10240x8xf32>
      %swap3A = arith.constant 0 : index
      %swap3A_1401 = arith.constant 0 : index
      %swap3A_1402 = vector.load %arg5[%swap3A, %swap3A_1401] : memref<10240x8xf32, #tpu.memory_space<vmem>>, vector<10240x8xf32>
      tpu.vector_store %arg5[%swap3A, %swap3A_1401], %broadcast_in_dim3A_1400 {strides = array<i32>} : memref<10240x8xf32, #tpu.memory_space<vmem>>, vector<10240x8xf32>,
      %broadcast_in_dim3A_1403 = arith.constant 0.000000e+00 : f32
      %broadcast_in_dim3A_1404 = vector.broadcast %broadcast_in_dim3A_1403 : f32 to vector<4x10240x128xf32>
      %swap3A_1405 = arith.constant 0 : index
      %swap3A_1406 = arith.constant 0 : index
      %swap3A_1407 = arith.constant 0 : index
      %swap3A_1408 = vector.load %arg4[%swap3A_1405, %swap3A_1406, %swap3A_1407] : memref<4x10240x128xf32, #tpu.memory_space<vmem>>, vector<4x10240x128xf32>
      tpu.vector_store %arg4[%swap3A_1405, %swap3A_1406, %swap3A_1407], %broadcast_in_dim3A_1404 {strides = array<i32>} : memref<4x10240x128xf32, #tpu.memory_space<vmem>>, vector<4x10240x128xf32>,
    } else {
    }
    %get3A = arith.constant 0 : index
    %get3A_2 = arith.constant 0 : index
    %get3A_3 = arith.constant 0 : index
    %get3A_4 = vector.load %arg2[%get3A, %get3A_2, %get3A_3] : memref<1x1x1024xi32, #tpu.memory_space<vmem>>, vector<1x1x1024xi32>
    %get3A_5 = vector.shape_cast %get3A_4 : vector<1x1x1024xi32> to vector<1024xi32>
    %get3A_6 = arith.constant 0 : index
    %get3A_7 = arith.constant 0 : index
    %get3A_8 = vector.load %arg3[%get3A_6, %get3A_7] : memref<8x1024xi32, #tpu.memory_space<vmem>>, vector<8x1024xi32>
    %slice3A = vector.extract_strided_slice %get3A_8 {offsets = [0, 0], sizes = [1, 1024], strides = [1, 1]} : vector<8x1024xi32> to vector<1x1024xi32>
    %squeeze3A = vector.shape_cast %slice3A : vector<1x1024xi32> to vector<1024xi32>
    %get3A_9 = arith.constant 0 : index
    %get3A_10 = arith.constant 0 : index
    %get3A_11 = memref.load %arg1[%get3A_9, %get3A_10] : memref<4x8xi32, #tpu.memory_space<smem>>
    %and3A = vector.broadcast %get3A_11 : i32 to vector<1024xi32>
    %and3A_12 = arith.andi %squeeze3A, %and3A : vector<1024xi32>
    %shift_right_logical3A = arith.constant 1 : i32
    %shift_right_logical3A_13 = vector.broadcast %shift_right_logical3A : i32 to vector<1024xi32>
    %shift_right_logical3A_14 = arith.shrui %and3A_12, %shift_right_logical3A_13 : vector<1024xi32>
    %and3A_15 = arith.constant 1431655765 : i32
    %and3A_16 = vector.broadcast %and3A_15 : i32 to vector<1024xi32>
    %and3A_17 = arith.andi %shift_right_logical3A_14, %and3A_16 : vector<1024xi32>
    %sub3A = arith.subi %and3A_12, %and3A_17 : vector<1024xi32>
    %and3A_18 = arith.constant 858993459 : i32
    %and3A_19 = vector.broadcast %and3A_18 : i32 to vector<1024xi32>
    %and3A_20 = arith.andi %sub3A, %and3A_19 : vector<1024xi32>
    %shift_right_logical3A_21 = arith.constant 2 : i32
    %shift_right_logical3A_22 = vector.broadcast %shift_right_logical3A_21 : i32 to vector<1024xi32>
    %shift_right_logical3A_23 = arith.shrui %sub3A, %shift_right_logical3A_22 : vector<1024xi32>
    %and3A_24 = arith.constant 858993459 : i32
    %and3A_25 = vector.broadcast %and3A_24 : i32 to vector<1024xi32>
    %and3A_26 = arith.andi %shift_right_logical3A_23, %and3A_25 : vector<1024xi32>
    %add3A = arith.addi %and3A_20, %and3A_26 : vector<1024xi32>
    %shift_right_logical3A_27 = arith.constant 4 : i32
    %shift_right_logical3A_28 = vector.broadcast %shift_right_logical3A_27 : i32 to vector<1024xi32>
    %shift_right_logical3A_29 = arith.shrui %add3A, %shift_right_logical3A_28 : vector<1024xi32>
    %add3A_30 = arith.addi %add3A, %shift_right_logical3A_29 : vector<1024xi32>
    %and3A_31 = arith.constant 252645135 : i32
    %and3A_32 = vector.broadcast %and3A_31 : i32 to vector<1024xi32>
    %and3A_33 = arith.andi %add3A_30, %and3A_32 : vector<1024xi32>
    %mul3A = arith.constant 16843009 : i32
    %mul3A_34 = vector.broadcast %mul3A : i32 to vector<1024xi32>
    %mul3A_35 = arith.muli %and3A_33, %mul3A_34 : vector<1024xi32>
    %shift_right_logical3A_36 = arith.constant 24 : i32
    %shift_right_logical3A_37 = vector.broadcast %shift_right_logical3A_36 : i32 to vector<1024xi32>
    %shift_right_logical3A_38 = arith.shrui %mul3A_35, %shift_right_logical3A_37 : vector<1024xi32>
    %slice3A_39 = vector.extract_strided_slice %get3A_8 {offsets = [4, 0], sizes = [1, 1024], strides = [1, 1]} : vector<8x1024xi32> to vector<1x1024xi32>
    %squeeze3A_40 = vector.shape_cast %slice3A_39 : vector<1x1024xi32> to vector<1024xi32>
    %get3A_41 = arith.constant 0 : index
    %get3A_42 = arith.constant 4 : index
    %get3A_43 = memref.load %arg1[%get3A_41, %get3A_42] : memref<4x8xi32, #tpu.memory_space<smem>>
    %and3A_44 = vector.broadcast %get3A_43 : i32 to vector<1024xi32>
    %and3A_45 = arith.andi %squeeze3A_40, %and3A_44 : vector<1024xi32>
    %shift_right_logical3A_46 = arith.constant 1 : i32
    %shift_right_logical3A_47 = vector.broadcast %shift_right_logical3A_46 : i32 to vector<1024xi32>
    %shift_right_logical3A_48 = arith.shrui %and3A_45, %shift_right_logical3A_47 : vector<1024xi32>
    %and3A_49 = arith.constant 1431655765 : i32
    %and3A_50 = vector.broadcast %and3A_49 : i32 to vector<1024xi32>
    %and3A_51 = arith.andi %shift_right_logical3A_48, %and3A_50 : vector<1024xi32>
    %sub3A_52 = arith.subi %and3A_45, %and3A_51 : vector<1024xi32>
    %and3A_53 = arith.constant 858993459 : i32
    %and3A_54 = vector.broadcast %and3A_53 : i32 to vector<1024xi32>
    %and3A_55 = arith.andi %sub3A_52, %and3A_54 : vector<1024xi32>
    %shift_right_logical3A_56 = arith.constant 2 : i32
    %shift_right_logical3A_57 = vector.broadcast %shift_right_logical3A_56 : i32 to vector<1024xi32>
    %shift_right_logical3A_58 = arith.shrui %sub3A_52, %shift_right_logical3A_57 : vector<1024xi32>
    %and3A_59 = arith.constant 858993459 : i32
    %and3A_60 = vector.broadcast %and3A_59 : i32 to vector<1024xi32>
    %and3A_61 = arith.andi %shift_right_logical3A_58, %and3A_60 : vector<1024xi32>
    %add3A_62 = arith.addi %and3A_55, %and3A_61 : vector<1024xi32>
    %shift_right_logical3A_63 = arith.constant 4 : i32
    %shift_right_logical3A_64 = vector.broadcast %shift_right_logical3A_63 : i32 to vector<1024xi32>
    %shift_right_logical3A_65 = arith.shrui %add3A_62, %shift_right_logical3A_64 : vector<1024xi32>
    %add3A_66 = arith.addi %add3A_62, %shift_right_logical3A_65 : vector<1024xi32>
    %and3A_67 = arith.constant 252645135 : i32
    %and3A_68 = vector.broadcast %and3A_67 : i32 to vector<1024xi32>
    %and3A_69 = arith.andi %add3A_66, %and3A_68 : vector<1024xi32>
    %mul3A_70 = arith.constant 16843009 : i32
    %mul3A_71 = vector.broadcast %mul3A_70 : i32 to vector<1024xi32>
    %mul3A_72 = arith.muli %and3A_69, %mul3A_71 : vector<1024xi32>
    %shift_right_logical3A_73 = arith.constant 24 : i32
    %shift_right_logical3A_74 = vector.broadcast %shift_right_logical3A_73 : i32 to vector<1024xi32>
    %shift_right_logical3A_75 = arith.shrui %mul3A_72, %shift_right_logical3A_74 : vector<1024xi32>
    %slice3A_76 = vector.extract_strided_slice %get3A_8 {offsets = [1, 0], sizes = [1, 1024], strides = [1, 1]} : vector<8x1024xi32> to vector<1x1024xi32>
    %squeeze3A_77 = vector.shape_cast %slice3A_76 : vector<1x1024xi32> to vector<1024xi32>
    %get3A_78 = arith.constant 0 : index
    %get3A_79 = arith.constant 1 : index
    %get3A_80 = memref.load %arg1[%get3A_78, %get3A_79] : memref<4x8xi32, #tpu.memory_space<smem>>
    %and3A_81 = vector.broadcast %get3A_80 : i32 to vector<1024xi32>
    %and3A_82 = arith.andi %squeeze3A_77, %and3A_81 : vector<1024xi32>
    %shift_right_logical3A_83 = arith.constant 1 : i32
    %shift_right_logical3A_84 = vector.broadcast %shift_right_logical3A_83 : i32 to vector<1024xi32>
    %shift_right_logical3A_85 = arith.shrui %and3A_82, %shift_right_logical3A_84 : vector<1024xi32>
    %and3A_86 = arith.constant 1431655765 : i32
    %and3A_87 = vector.broadcast %and3A_86 : i32 to vector<1024xi32>
    %and3A_88 = arith.andi %shift_right_logical3A_85, %and3A_87 : vector<1024xi32>
    %sub3A_89 = arith.subi %and3A_82, %and3A_88 : vector<1024xi32>
    %and3A_90 = arith.constant 858993459 : i32
    %and3A_91 = vector.broadcast %and3A_90 : i32 to vector<1024xi32>
    %and3A_92 = arith.andi %sub3A_89, %and3A_91 : vector<1024xi32>
    %shift_right_logical3A_93 = arith.constant 2 : i32
    %shift_right_logical3A_94 = vector.broadcast %shift_right_logical3A_93 : i32 to vector<1024xi32>
    %shift_right_logical3A_95 = arith.shrui %sub3A_89, %shift_right_logical3A_94 : vector<1024xi32>
    %and3A_96 = arith.constant 858993459 : i32
    %and3A_97 = vector.broadcast %and3A_96 : i32 to vector<1024xi32>
    %and3A_98 = arith.andi %shift_right_logical3A_95, %and3A_97 : vector<1024xi32>
    %add3A_99 = arith.addi %and3A_92, %and3A_98 : vector<1024xi32>
    %shift_right_logical3A_100 = arith.constant 4 : i32
    %shift_right_logical3A_101 = vector.broadcast %shift_right_logical3A_100 : i32 to vector<1024xi32>
    %shift_right_logical3A_102 = arith.shrui %add3A_99, %shift_right_logical3A_101 : vector<1024xi32>
    %add3A_103 = arith.addi %add3A_99, %shift_right_logical3A_102 : vector<1024xi32>
    %and3A_104 = arith.constant 252645135 : i32
    %and3A_105 = vector.broadcast %and3A_104 : i32 to vector<1024xi32>
    %and3A_106 = arith.andi %add3A_103, %and3A_105 : vector<1024xi32>
    %mul3A_107 = arith.constant 16843009 : i32
    %mul3A_108 = vector.broadcast %mul3A_107 : i32 to vector<1024xi32>
    %mul3A_109 = arith.muli %and3A_106, %mul3A_108 : vector<1024xi32>
    %shift_right_logical3A_110 = arith.constant 24 : i32
    %shift_right_logical3A_111 = vector.broadcast %shift_right_logical3A_110 : i32 to vector<1024xi32>
    %shift_right_logical3A_112 = arith.shrui %mul3A_109, %shift_right_logical3A_111 : vector<1024xi32>
    %add3A_113 = arith.addi %shift_right_logical3A_38, %shift_right_logical3A_112 : vector<1024xi32>
    %slice3A_114 = vector.extract_strided_slice %get3A_8 {offsets = [5, 0], sizes = [1, 1024], strides = [1, 1]} : vector<8x1024xi32> to vector<1x1024xi32>
    %squeeze3A_115 = vector.shape_cast %slice3A_114 : vector<1x1024xi32> to vector<1024xi32>
    %get3A_116 = arith.constant 0 : index
    %get3A_117 = arith.constant 5 : index
    %get3A_118 = memref.load %arg1[%get3A_116, %get3A_117] : memref<4x8xi32, #tpu.memory_space<smem>>
    %and3A_119 = vector.broadcast %get3A_118 : i32 to vector<1024xi32>
    %and3A_120 = arith.andi %squeeze3A_115, %and3A_119 : vector<1024xi32>
    %shift_right_logical3A_121 = arith.constant 1 : i32
    %shift_right_logical3A_122 = vector.broadcast %shift_right_logical3A_121 : i32 to vector<1024xi32>
    %shift_right_logical3A_123 = arith.shrui %and3A_120, %shift_right_logical3A_122 : vector<1024xi32>
    %and3A_124 = arith.constant 1431655765 : i32
    %and3A_125 = vector.broadcast %and3A_124 : i32 to vector<1024xi32>
    %and3A_126 = arith.andi %shift_right_logical3A_123, %and3A_125 : vector<1024xi32>
    %sub3A_127 = arith.subi %and3A_120, %and3A_126 : vector<1024xi32>
    %and3A_128 = arith.constant 858993459 : i32
    %and3A_129 = vector.broadcast %and3A_128 : i32 to vector<1024xi32>
    %and3A_130 = arith.andi %sub3A_127, %and3A_129 : vector<1024xi32>
    %shift_right_logical3A_131 = arith.constant 2 : i32
    %shift_right_logical3A_132 = vector.broadcast %shift_right_logical3A_131 : i32 to vector<1024xi32>
    %shift_right_logical3A_133 = arith.shrui %sub3A_127, %shift_right_logical3A_132 : vector<1024xi32>
    %and3A_134 = arith.constant 858993459 : i32
    %and3A_135 = vector.broadcast %and3A_134 : i32 to vector<1024xi32>
    %and3A_136 = arith.andi %shift_right_logical3A_133, %and3A_135 : vector<1024xi32>
    %add3A_137 = arith.addi %and3A_130, %and3A_136 : vector<1024xi32>
    %shift_right_logical3A_138 = arith.constant 4 : i32
    %shift_right_logical3A_139 = vector.broadcast %shift_right_logical3A_138 : i32 to vector<1024xi32>
    %shift_right_logical3A_140 = arith.shrui %add3A_137, %shift_right_logical3A_139 : vector<1024xi32>
    %add3A_141 = arith.addi %add3A_137, %shift_right_logical3A_140 : vector<1024xi32>
    %and3A_142 = arith.constant 252645135 : i32
    %and3A_143 = vector.broadcast %and3A_142 : i32 to vector<1024xi32>
    %and3A_144 = arith.andi %add3A_141, %and3A_143 : vector<1024xi32>
    %mul3A_145 = arith.constant 16843009 : i32
    %mul3A_146 = vector.broadcast %mul3A_145 : i32 to vector<1024xi32>
    %mul3A_147 = arith.muli %and3A_144, %mul3A_146 : vector<1024xi32>
    %shift_right_logical3A_148 = arith.constant 24 : i32
    %shift_right_logical3A_149 = vector.broadcast %shift_right_logical3A_148 : i32 to vector<1024xi32>
    %shift_right_logical3A_150 = arith.shrui %mul3A_147, %shift_right_logical3A_149 : vector<1024xi32>
    %add3A_151 = arith.addi %shift_right_logical3A_75, %shift_right_logical3A_150 : vector<1024xi32>
    %slice3A_152 = vector.extract_strided_slice %get3A_8 {offsets = [2, 0], sizes = [1, 1024], strides = [1, 1]} : vector<8x1024xi32> to vector<1x1024xi32>
    %squeeze3A_153 = vector.shape_cast %slice3A_152 : vector<1x1024xi32> to vector<1024xi32>
    %get3A_154 = arith.constant 0 : index
    %get3A_155 = arith.constant 2 : index
    %get3A_156 = memref.load %arg1[%get3A_154, %get3A_155] : memref<4x8xi32, #tpu.memory_space<smem>>
    %and3A_157 = vector.broadcast %get3A_156 : i32 to vector<1024xi32>
    %and3A_158 = arith.andi %squeeze3A_153, %and3A_157 : vector<1024xi32>
    %shift_right_logical3A_159 = arith.constant 1 : i32
    %shift_right_logical3A_160 = vector.broadcast %shift_right_logical3A_159 : i32 to vector<1024xi32>
    %shift_right_logical3A_161 = arith.shrui %and3A_158, %shift_right_logical3A_160 : vector<1024xi32>
    %and3A_162 = arith.constant 1431655765 : i32
    %and3A_163 = vector.broadcast %and3A_162 : i32 to vector<1024xi32>
    %and3A_164 = arith.andi %shift_right_logical3A_161, %and3A_163 : vector<1024xi32>
    %sub3A_165 = arith.subi %and3A_158, %and3A_164 : vector<1024xi32>
    %and3A_166 = arith.constant 858993459 : i32
    %and3A_167 = vector.broadcast %and3A_166 : i32 to vector<1024xi32>
    %and3A_168 = arith.andi %sub3A_165, %and3A_167 : vector<1024xi32>
    %shift_right_logical3A_169 = arith.constant 2 : i32
    %shift_right_logical3A_170 = vector.broadcast %shift_right_logical3A_169 : i32 to vector<1024xi32>
    %shift_right_logical3A_171 = arith.shrui %sub3A_165, %shift_right_logical3A_170 : vector<1024xi32>
    %and3A_172 = arith.constant 858993459 : i32
    %and3A_173 = vector.broadcast %and3A_172 : i32 to vector<1024xi32>
    %and3A_174 = arith.andi %shift_right_logical3A_171, %and3A_173 : vector<1024xi32>
    %add3A_175 = arith.addi %and3A_168, %and3A_174 : vector<1024xi32>
    %shift_right_logical3A_176 = arith.constant 4 : i32
    %shift_right_logical3A_177 = vector.broadcast %shift_right_logical3A_176 : i32 to vector<1024xi32>
    %shift_right_logical3A_178 = arith.shrui %add3A_175, %shift_right_logical3A_177 : vector<1024xi32>
    %add3A_179 = arith.addi %add3A_175, %shift_right_logical3A_178 : vector<1024xi32>
    %and3A_180 = arith.constant 252645135 : i32
    %and3A_181 = vector.broadcast %and3A_180 : i32 to vector<1024xi32>
    %and3A_182 = arith.andi %add3A_179, %and3A_181 : vector<1024xi32>
    %mul3A_183 = arith.constant 16843009 : i32
    %mul3A_184 = vector.broadcast %mul3A_183 : i32 to vector<1024xi32>
    %mul3A_185 = arith.muli %and3A_182, %mul3A_184 : vector<1024xi32>
    %shift_right_logical3A_186 = arith.constant 24 : i32
    %shift_right_logical3A_187 = vector.broadcast %shift_right_logical3A_186 : i32 to vector<1024xi32>
    %shift_right_logical3A_188 = arith.shrui %mul3A_185, %shift_right_logical3A_187 : vector<1024xi32>
    %add3A_189 = arith.addi %add3A_113, %shift_right_logical3A_188 : vector<1024xi32>
    %slice3A_190 = vector.extract_strided_slice %get3A_8 {offsets = [6, 0], sizes = [1, 1024], strides = [1, 1]} : vector<8x1024xi32> to vector<1x1024xi32>
    %squeeze3A_191 = vector.shape_cast %slice3A_190 : vector<1x1024xi32> to vector<1024xi32>
    %get3A_192 = arith.constant 0 : index
    %get3A_193 = arith.constant 6 : index
    %get3A_194 = memref.load %arg1[%get3A_192, %get3A_193] : memref<4x8xi32, #tpu.memory_space<smem>>
    %and3A_195 = vector.broadcast %get3A_194 : i32 to vector<1024xi32>
    %and3A_196 = arith.andi %squeeze3A_191, %and3A_195 : vector<1024xi32>
    %shift_right_logical3A_197 = arith.constant 1 : i32
    %shift_right_logical3A_198 = vector.broadcast %shift_right_logical3A_197 : i32 to vector<1024xi32>
    %shift_right_logical3A_199 = arith.shrui %and3A_196, %shift_right_logical3A_198 : vector<1024xi32>
    %and3A_200 = arith.constant 1431655765 : i32
    %and3A_201 = vector.broadcast %and3A_200 : i32 to vector<1024xi32>
    %and3A_202 = arith.andi %shift_right_logical3A_199, %and3A_201 : vector<1024xi32>
    %sub3A_203 = arith.subi %and3A_196, %and3A_202 : vector<1024xi32>
    %and3A_204 = arith.constant 858993459 : i32
    %and3A_205 = vector.broadcast %and3A_204 : i32 to vector<1024xi32>
    %and3A_206 = arith.andi %sub3A_203, %and3A_205 : vector<1024xi32>
    %shift_right_logical3A_207 = arith.constant 2 : i32
    %shift_right_logical3A_208 = vector.broadcast %shift_right_logical3A_207 : i32 to vector<1024xi32>
    %shift_right_logical3A_209 = arith.shrui %sub3A_203, %shift_right_logical3A_208 : vector<1024xi32>
    %and3A_210 = arith.constant 858993459 : i32
    %and3A_211 = vector.broadcast %and3A_210 : i32 to vector<1024xi32>
    %and3A_212 = arith.andi %shift_right_logical3A_209, %and3A_211 : vector<1024xi32>
    %add3A_213 = arith.addi %and3A_206, %and3A_212 : vector<1024xi32>
    %shift_right_logical3A_214 = arith.constant 4 : i32
    %shift_right_logical3A_215 = vector.broadcast %shift_right_logical3A_214 : i32 to vector<1024xi32>
    %shift_right_logical3A_216 = arith.shrui %add3A_213, %shift_right_logical3A_215 : vector<1024xi32>
    %add3A_217 = arith.addi %add3A_213, %shift_right_logical3A_216 : vector<1024xi32>
    %and3A_218 = arith.constant 252645135 : i32
    %and3A_219 = vector.broadcast %and3A_218 : i32 to vector<1024xi32>
    %and3A_220 = arith.andi %add3A_217, %and3A_219 : vector<1024xi32>
    %mul3A_221 = arith.constant 16843009 : i32
    %mul3A_222 = vector.broadcast %mul3A_221 : i32 to vector<1024xi32>
    %mul3A_223 = arith.muli %and3A_220, %mul3A_222 : vector<1024xi32>
    %shift_right_logical3A_224 = arith.constant 24 : i32
    %shift_right_logical3A_225 = vector.broadcast %shift_right_logical3A_224 : i32 to vector<1024xi32>
    %shift_right_logical3A_226 = arith.shrui %mul3A_223, %shift_right_logical3A_225 : vector<1024xi32>
    %add3A_227 = arith.addi %add3A_151, %shift_right_logical3A_226 : vector<1024xi32>
    %slice3A_228 = vector.extract_strided_slice %get3A_8 {offsets = [3, 0], sizes = [1, 1024], strides = [1, 1]} : vector<8x1024xi32> to vector<1x1024xi32>
    %squeeze3A_229 = vector.shape_cast %slice3A_228 : vector<1x1024xi32> to vector<1024xi32>
    %get3A_230 = arith.constant 0 : index
    %get3A_231 = arith.constant 3 : index
    %get3A_232 = memref.load %arg1[%get3A_230, %get3A_231] : memref<4x8xi32, #tpu.memory_space<smem>>
    %and3A_233 = vector.broadcast %get3A_232 : i32 to vector<1024xi32>
    %and3A_234 = arith.andi %squeeze3A_229, %and3A_233 : vector<1024xi32>
    %shift_right_logical3A_235 = arith.constant 1 : i32
    %shift_right_logical3A_236 = vector.broadcast %shift_right_logical3A_235 : i32 to vector<1024xi32>
    %shift_right_logical3A_237 = arith.shrui %and3A_234, %shift_right_logical3A_236 : vector<1024xi32>
    %and3A_238 = arith.constant 1431655765 : i32
    %and3A_239 = vector.broadcast %and3A_238 : i32 to vector<1024xi32>
    %and3A_240 = arith.andi %shift_right_logical3A_237, %and3A_239 : vector<1024xi32>
    %sub3A_241 = arith.subi %and3A_234, %and3A_240 : vector<1024xi32>
    %and3A_242 = arith.constant 858993459 : i32
    %and3A_243 = vector.broadcast %and3A_242 : i32 to vector<1024xi32>
    %and3A_244 = arith.andi %sub3A_241, %and3A_243 : vector<1024xi32>
    %shift_right_logical3A_245 = arith.constant 2 : i32
    %shift_right_logical3A_246 = vector.broadcast %shift_right_logical3A_245 : i32 to vector<1024xi32>
    %shift_right_logical3A_247 = arith.shrui %sub3A_241, %shift_right_logical3A_246 : vector<1024xi32>
    %and3A_248 = arith.constant 858993459 : i32
    %and3A_249 = vector.broadcast %and3A_248 : i32 to vector<1024xi32>
    %and3A_250 = arith.andi %shift_right_logical3A_247, %and3A_249 : vector<1024xi32>
    %add3A_251 = arith.addi %and3A_244, %and3A_250 : vector<1024xi32>
    %shift_right_logical3A_252 = arith.constant 4 : i32
    %shift_right_logical3A_253 = vector.broadcast %shift_right_logical3A_252 : i32 to vector<1024xi32>
    %shift_right_logical3A_254 = arith.shrui %add3A_251, %shift_right_logical3A_253 : vector<1024xi32>
    %add3A_255 = arith.addi %add3A_251, %shift_right_logical3A_254 : vector<1024xi32>
    %and3A_256 = arith.constant 252645135 : i32
    %and3A_257 = vector.broadcast %and3A_256 : i32 to vector<1024xi32>
    %and3A_258 = arith.andi %add3A_255, %and3A_257 : vector<1024xi32>
    %mul3A_259 = arith.constant 16843009 : i32
    %mul3A_260 = vector.broadcast %mul3A_259 : i32 to vector<1024xi32>
    %mul3A_261 = arith.muli %and3A_258, %mul3A_260 : vector<1024xi32>
    %shift_right_logical3A_262 = arith.constant 24 : i32
    %shift_right_logical3A_263 = vector.broadcast %shift_right_logical3A_262 : i32 to vector<1024xi32>
    %shift_right_logical3A_264 = arith.shrui %mul3A_261, %shift_right_logical3A_263 : vector<1024xi32>
    %add3A_265 = arith.addi %add3A_189, %shift_right_logical3A_264 : vector<1024xi32>
    %slice3A_266 = vector.extract_strided_slice %get3A_8 {offsets = [7, 0], sizes = [1, 1024], strides = [1, 1]} : vector<8x1024xi32> to vector<1x1024xi32>
    %squeeze3A_267 = vector.shape_cast %slice3A_266 : vector<1x1024xi32> to vector<1024xi32>
    %get3A_268 = arith.constant 0 : index
    %get3A_269 = arith.constant 7 : index
    %get3A_270 = memref.load %arg1[%get3A_268, %get3A_269] : memref<4x8xi32, #tpu.memory_space<smem>>
    %and3A_271 = vector.broadcast %get3A_270 : i32 to vector<1024xi32>
    %and3A_272 = arith.andi %squeeze3A_267, %and3A_271 : vector<1024xi32>
    %shift_right_logical3A_273 = arith.constant 1 : i32
    %shift_right_logical3A_274 = vector.broadcast %shift_right_logical3A_273 : i32 to vector<1024xi32>
    %shift_right_logical3A_275 = arith.shrui %and3A_272, %shift_right_logical3A_274 : vector<1024xi32>
    %and3A_276 = arith.constant 1431655765 : i32
    %and3A_277 = vector.broadcast %and3A_276 : i32 to vector<1024xi32>
    %and3A_278 = arith.andi %shift_right_logical3A_275, %and3A_277 : vector<1024xi32>
    %sub3A_279 = arith.subi %and3A_272, %and3A_278 : vector<1024xi32>
    %and3A_280 = arith.constant 858993459 : i32
    %and3A_281 = vector.broadcast %and3A_280 : i32 to vector<1024xi32>
    %and3A_282 = arith.andi %sub3A_279, %and3A_281 : vector<1024xi32>
    %shift_right_logical3A_283 = arith.constant 2 : i32
    %shift_right_logical3A_284 = vector.broadcast %shift_right_logical3A_283 : i32 to vector<1024xi32>
    %shift_right_logical3A_285 = arith.shrui %sub3A_279, %shift_right_logical3A_284 : vector<1024xi32>
    %and3A_286 = arith.constant 858993459 : i32
    %and3A_287 = vector.broadcast %and3A_286 : i32 to vector<1024xi32>
    %and3A_288 = arith.andi %shift_right_logical3A_285, %and3A_287 : vector<1024xi32>
    %add3A_289 = arith.addi %and3A_282, %and3A_288 : vector<1024xi32>
    %shift_right_logical3A_290 = arith.constant 4 : i32
    %shift_right_logical3A_291 = vector.broadcast %shift_right_logical3A_290 : i32 to vector<1024xi32>
    %shift_right_logical3A_292 = arith.shrui %add3A_289, %shift_right_logical3A_291 : vector<1024xi32>
    %add3A_293 = arith.addi %add3A_289, %shift_right_logical3A_292 : vector<1024xi32>
    %and3A_294 = arith.constant 252645135 : i32
    %and3A_295 = vector.broadcast %and3A_294 : i32 to vector<1024xi32>
    %and3A_296 = arith.andi %add3A_293, %and3A_295 : vector<1024xi32>
    %mul3A_297 = arith.constant 16843009 : i32
    %mul3A_298 = vector.broadcast %mul3A_297 : i32 to vector<1024xi32>
    %mul3A_299 = arith.muli %and3A_296, %mul3A_298 : vector<1024xi32>
    %shift_right_logical3A_300 = arith.constant 24 : i32
    %shift_right_logical3A_301 = vector.broadcast %shift_right_logical3A_300 : i32 to vector<1024xi32>
    %shift_right_logical3A_302 = arith.shrui %mul3A_299, %shift_right_logical3A_301 : vector<1024xi32>
    %add3A_303 = arith.addi %add3A_227, %shift_right_logical3A_302 : vector<1024xi32>
    %convert_element_type3A_304 = arith.sitofp %add3A_265 : vector<1024xi32> to vector<1024xf32>
    %convert_element_type3A_305 = arith.sitofp %add3A_303 : vector<1024xi32> to vector<1024xf32>
    %div3A = arith.divf %convert_element_type3A_304, %convert_element_type3A_305 : vector<1024xf32>
    %reshape3A = vector.shape_cast %div3A : vector<1024xf32> to vector<1x1024xf32>
    %sub3A_306 = arith.constant 6.400000e+01 : f32
    %sub3A_307 = vector.broadcast %sub3A_306 : f32 to vector<1x1024xf32>
    %sub3A_308 = arith.subf %reshape3A, %sub3A_307 : vector<1x1024xf32>
    %exp3A = math.exp %sub3A_308 : vector<1x1024xf32>
    %slice3A_309 = vector.extract_strided_slice %get3A_8 {offsets = [0, 0], sizes = [1, 1024], strides = [1, 1]} : vector<8x1024xi32> to vector<1x1024xi32>
    %squeeze3A_310 = vector.shape_cast %slice3A_309 : vector<1x1024xi32> to vector<1024xi32>
    %get3A_311 = arith.constant 1 : index
    %get3A_312 = arith.constant 0 : index
    %get3A_313 = memref.load %arg1[%get3A_311, %get3A_312] : memref<4x8xi32, #tpu.memory_space<smem>>
    %and3A_314 = vector.broadcast %get3A_313 : i32 to vector<1024xi32>
    %and3A_315 = arith.andi %squeeze3A_310, %and3A_314 : vector<1024xi32>
    %shift_right_logical3A_316 = arith.constant 1 : i32
    %shift_right_logical3A_317 = vector.broadcast %shift_right_logical3A_316 : i32 to vector<1024xi32>
    %shift_right_logical3A_318 = arith.shrui %and3A_315, %shift_right_logical3A_317 : vector<1024xi32>
    %and3A_319 = arith.constant 1431655765 : i32
    %and3A_320 = vector.broadcast %and3A_319 : i32 to vector<1024xi32>
    %and3A_321 = arith.andi %shift_right_logical3A_318, %and3A_320 : vector<1024xi32>
    %sub3A_322 = arith.subi %and3A_315, %and3A_321 : vector<1024xi32>
    %and3A_323 = arith.constant 858993459 : i32
    %and3A_324 = vector.broadcast %and3A_323 : i32 to vector<1024xi32>
    %and3A_325 = arith.andi %sub3A_322, %and3A_324 : vector<1024xi32>
    %shift_right_logical3A_326 = arith.constant 2 : i32
    %shift_right_logical3A_327 = vector.broadcast %shift_right_logical3A_326 : i32 to vector<1024xi32>
    %shift_right_logical3A_328 = arith.shrui %sub3A_322, %shift_right_logical3A_327 : vector<1024xi32>
    %and3A_329 = arith.constant 858993459 : i32
    %and3A_330 = vector.broadcast %and3A_329 : i32 to vector<1024xi32>
    %and3A_331 = arith.andi %shift_right_logical3A_328, %and3A_330 : vector<1024xi32>
    %add3A_332 = arith.addi %and3A_325, %and3A_331 : vector<1024xi32>
    %shift_right_logical3A_333 = arith.constant 4 : i32
    %shift_right_logical3A_334 = vector.broadcast %shift_right_logical3A_333 : i32 to vector<1024xi32>
    %shift_right_logical3A_335 = arith.shrui %add3A_332, %shift_right_logical3A_334 : vector<1024xi32>
    %add3A_336 = arith.addi %add3A_332, %shift_right_logical3A_335 : vector<1024xi32>
    %and3A_337 = arith.constant 252645135 : i32
    %and3A_338 = vector.broadcast %and3A_337 : i32 to vector<1024xi32>
    %and3A_339 = arith.andi %add3A_336, %and3A_338 : vector<1024xi32>
    %mul3A_340 = arith.constant 16843009 : i32
    %mul3A_341 = vector.broadcast %mul3A_340 : i32 to vector<1024xi32>
    %mul3A_342 = arith.muli %and3A_339, %mul3A_341 : vector<1024xi32>
    %shift_right_logical3A_343 = arith.constant 24 : i32
    %shift_right_logical3A_344 = vector.broadcast %shift_right_logical3A_343 : i32 to vector<1024xi32>
    %shift_right_logical3A_345 = arith.shrui %mul3A_342, %shift_right_logical3A_344 : vector<1024xi32>
    %slice3A_346 = vector.extract_strided_slice %get3A_8 {offsets = [4, 0], sizes = [1, 1024], strides = [1, 1]} : vector<8x1024xi32> to vector<1x1024xi32>
    %squeeze3A_347 = vector.shape_cast %slice3A_346 : vector<1x1024xi32> to vector<1024xi32>
    %get3A_348 = arith.constant 1 : index
    %get3A_349 = arith.constant 4 : index
    %get3A_350 = memref.load %arg1[%get3A_348, %get3A_349] : memref<4x8xi32, #tpu.memory_space<smem>>
    %and3A_351 = vector.broadcast %get3A_350 : i32 to vector<1024xi32>
    %and3A_352 = arith.andi %squeeze3A_347, %and3A_351 : vector<1024xi32>
    %shift_right_logical3A_353 = arith.constant 1 : i32
    %shift_right_logical3A_354 = vector.broadcast %shift_right_logical3A_353 : i32 to vector<1024xi32>
    %shift_right_logical3A_355 = arith.shrui %and3A_352, %shift_right_logical3A_354 : vector<1024xi32>
    %and3A_356 = arith.constant 1431655765 : i32
    %and3A_357 = vector.broadcast %and3A_356 : i32 to vector<1024xi32>
    %and3A_358 = arith.andi %shift_right_logical3A_355, %and3A_357 : vector<1024xi32>
    %sub3A_359 = arith.subi %and3A_352, %and3A_358 : vector<1024xi32>
    %and3A_360 = arith.constant 858993459 : i32
    %and3A_361 = vector.broadcast %and3A_360 : i32 to vector<1024xi32>
    %and3A_362 = arith.andi %sub3A_359, %and3A_361 : vector<1024xi32>
    %shift_right_logical3A_363 = arith.constant 2 : i32
    %shift_right_logical3A_364 = vector.broadcast %shift_right_logical3A_363 : i32 to vector<1024xi32>
    %shift_right_logical3A_365 = arith.shrui %sub3A_359, %shift_right_logical3A_364 : vector<1024xi32>
    %and3A_366 = arith.constant 858993459 : i32
    %and3A_367 = vector.broadcast %and3A_366 : i32 to vector<1024xi32>
    %and3A_368 = arith.andi %shift_right_logical3A_365, %and3A_367 : vector<1024xi32>
    %add3A_369 = arith.addi %and3A_362, %and3A_368 : vector<1024xi32>
    %shift_right_logical3A_370 = arith.constant 4 : i32
    %shift_right_logical3A_371 = vector.broadcast %shift_right_logical3A_370 : i32 to vector<1024xi32>
    %shift_right_logical3A_372 = arith.shrui %add3A_369, %shift_right_logical3A_371 : vector<1024xi32>
    %add3A_373 = arith.addi %add3A_369, %shift_right_logical3A_372 : vector<1024xi32>
    %and3A_374 = arith.constant 252645135 : i32
    %and3A_375 = vector.broadcast %and3A_374 : i32 to vector<1024xi32>
    %and3A_376 = arith.andi %add3A_373, %and3A_375 : vector<1024xi32>
    %mul3A_377 = arith.constant 16843009 : i32
    %mul3A_378 = vector.broadcast %mul3A_377 : i32 to vector<1024xi32>
    %mul3A_379 = arith.muli %and3A_376, %mul3A_378 : vector<1024xi32>
    %shift_right_logical3A_380 = arith.constant 24 : i32
    %shift_right_logical3A_381 = vector.broadcast %shift_right_logical3A_380 : i32 to vector<1024xi32>
    %shift_right_logical3A_382 = arith.shrui %mul3A_379, %shift_right_logical3A_381 : vector<1024xi32>
    %slice3A_383 = vector.extract_strided_slice %get3A_8 {offsets = [1, 0], sizes = [1, 1024], strides = [1, 1]} : vector<8x1024xi32> to vector<1x1024xi32>
    %squeeze3A_384 = vector.shape_cast %slice3A_383 : vector<1x1024xi32> to vector<1024xi32>
    %get3A_385 = arith.constant 1 : index
    %get3A_386 = arith.constant 1 : index
    %get3A_387 = memref.load %arg1[%get3A_385, %get3A_386] : memref<4x8xi32, #tpu.memory_space<smem>>
    %and3A_388 = vector.broadcast %get3A_387 : i32 to vector<1024xi32>
    %and3A_389 = arith.andi %squeeze3A_384, %and3A_388 : vector<1024xi32>
    %shift_right_logical3A_390 = arith.constant 1 : i32
    %shift_right_logical3A_391 = vector.broadcast %shift_right_logical3A_390 : i32 to vector<1024xi32>
    %shift_right_logical3A_392 = arith.shrui %and3A_389, %shift_right_logical3A_391 : vector<1024xi32>
    %and3A_393 = arith.constant 1431655765 : i32
    %and3A_394 = vector.broadcast %and3A_393 : i32 to vector<1024xi32>
    %and3A_395 = arith.andi %shift_right_logical3A_392, %and3A_394 : vector<1024xi32>
    %sub3A_396 = arith.subi %and3A_389, %and3A_395 : vector<1024xi32>
    %and3A_397 = arith.constant 858993459 : i32
    %and3A_398 = vector.broadcast %and3A_397 : i32 to vector<1024xi32>
    %and3A_399 = arith.andi %sub3A_396, %and3A_398 : vector<1024xi32>
    %shift_right_logical3A_400 = arith.constant 2 : i32
    %shift_right_logical3A_401 = vector.broadcast %shift_right_logical3A_400 : i32 to vector<1024xi32>
    %shift_right_logical3A_402 = arith.shrui %sub3A_396, %shift_right_logical3A_401 : vector<1024xi32>
    %and3A_403 = arith.constant 858993459 : i32
    %and3A_404 = vector.broadcast %and3A_403 : i32 to vector<1024xi32>
    %and3A_405 = arith.andi %shift_right_logical3A_402, %and3A_404 : vector<1024xi32>
    %add3A_406 = arith.addi %and3A_399, %and3A_405 : vector<1024xi32>
    %shift_right_logical3A_407 = arith.constant 4 : i32
    %shift_right_logical3A_408 = vector.broadcast %shift_right_logical3A_407 : i32 to vector<1024xi32>
    %shift_right_logical3A_409 = arith.shrui %add3A_406, %shift_right_logical3A_408 : vector<1024xi32>
    %add3A_410 = arith.addi %add3A_406, %shift_right_logical3A_409 : vector<1024xi32>
    %and3A_411 = arith.constant 252645135 : i32
    %and3A_412 = vector.broadcast %and3A_411 : i32 to vector<1024xi32>
    %and3A_413 = arith.andi %add3A_410, %and3A_412 : vector<1024xi32>
    %mul3A_414 = arith.constant 16843009 : i32
    %mul3A_415 = vector.broadcast %mul3A_414 : i32 to vector<1024xi32>
    %mul3A_416 = arith.muli %and3A_413, %mul3A_415 : vector<1024xi32>
    %shift_right_logical3A_417 = arith.constant 24 : i32
    %shift_right_logical3A_418 = vector.broadcast %shift_right_logical3A_417 : i32 to vector<1024xi32>
    %shift_right_logical3A_419 = arith.shrui %mul3A_416, %shift_right_logical3A_418 : vector<1024xi32>
    %add3A_420 = arith.addi %shift_right_logical3A_345, %shift_right_logical3A_419 : vector<1024xi32>
    %slice3A_421 = vector.extract_strided_slice %get3A_8 {offsets = [5, 0], sizes = [1, 1024], strides = [1, 1]} : vector<8x1024xi32> to vector<1x1024xi32>
    %squeeze3A_422 = vector.shape_cast %slice3A_421 : vector<1x1024xi32> to vector<1024xi32>
    %get3A_423 = arith.constant 1 : index
    %get3A_424 = arith.constant 5 : index
    %get3A_425 = memref.load %arg1[%get3A_423, %get3A_424] : memref<4x8xi32, #tpu.memory_space<smem>>
    %and3A_426 = vector.broadcast %get3A_425 : i32 to vector<1024xi32>
    %and3A_427 = arith.andi %squeeze3A_422, %and3A_426 : vector<1024xi32>
    %shift_right_logical3A_428 = arith.constant 1 : i32
    %shift_right_logical3A_429 = vector.broadcast %shift_right_logical3A_428 : i32 to vector<1024xi32>
    %shift_right_logical3A_430 = arith.shrui %and3A_427, %shift_right_logical3A_429 : vector<1024xi32>
    %and3A_431 = arith.constant 1431655765 : i32
    %and3A_432 = vector.broadcast %and3A_431 : i32 to vector<1024xi32>
    %and3A_433 = arith.andi %shift_right_logical3A_430, %and3A_432 : vector<1024xi32>
    %sub3A_434 = arith.subi %and3A_427, %and3A_433 : vector<1024xi32>
    %and3A_435 = arith.constant 858993459 : i32
    %and3A_436 = vector.broadcast %and3A_435 : i32 to vector<1024xi32>
    %and3A_437 = arith.andi %sub3A_434, %and3A_436 : vector<1024xi32>
    %shift_right_logical3A_438 = arith.constant 2 : i32
    %shift_right_logical3A_439 = vector.broadcast %shift_right_logical3A_438 : i32 to vector<1024xi32>
    %shift_right_logical3A_440 = arith.shrui %sub3A_434, %shift_right_logical3A_439 : vector<1024xi32>
    %and3A_441 = arith.constant 858993459 : i32
    %and3A_442 = vector.broadcast %and3A_441 : i32 to vector<1024xi32>
    %and3A_443 = arith.andi %shift_right_logical3A_440, %and3A_442 : vector<1024xi32>
    %add3A_444 = arith.addi %and3A_437, %and3A_443 : vector<1024xi32>
    %shift_right_logical3A_445 = arith.constant 4 : i32
    %shift_right_logical3A_446 = vector.broadcast %shift_right_logical3A_445 : i32 to vector<1024xi32>
    %shift_right_logical3A_447 = arith.shrui %add3A_444, %shift_right_logical3A_446 : vector<1024xi32>
    %add3A_448 = arith.addi %add3A_444, %shift_right_logical3A_447 : vector<1024xi32>
    %and3A_449 = arith.constant 252645135 : i32
    %and3A_450 = vector.broadcast %and3A_449 : i32 to vector<1024xi32>
    %and3A_451 = arith.andi %add3A_448, %and3A_450 : vector<1024xi32>
    %mul3A_452 = arith.constant 16843009 : i32
    %mul3A_453 = vector.broadcast %mul3A_452 : i32 to vector<1024xi32>
    %mul3A_454 = arith.muli %and3A_451, %mul3A_453 : vector<1024xi32>
    %shift_right_logical3A_455 = arith.constant 24 : i32
    %shift_right_logical3A_456 = vector.broadcast %shift_right_logical3A_455 : i32 to vector<1024xi32>
    %shift_right_logical3A_457 = arith.shrui %mul3A_454, %shift_right_logical3A_456 : vector<1024xi32>
    %add3A_458 = arith.addi %shift_right_logical3A_382, %shift_right_logical3A_457 : vector<1024xi32>
    %slice3A_459 = vector.extract_strided_slice %get3A_8 {offsets = [2, 0], sizes = [1, 1024], strides = [1, 1]} : vector<8x1024xi32> to vector<1x1024xi32>
    %squeeze3A_460 = vector.shape_cast %slice3A_459 : vector<1x1024xi32> to vector<1024xi32>
    %get3A_461 = arith.constant 1 : index
    %get3A_462 = arith.constant 2 : index
    %get3A_463 = memref.load %arg1[%get3A_461, %get3A_462] : memref<4x8xi32, #tpu.memory_space<smem>>
    %and3A_464 = vector.broadcast %get3A_463 : i32 to vector<1024xi32>
    %and3A_465 = arith.andi %squeeze3A_460, %and3A_464 : vector<1024xi32>
    %shift_right_logical3A_466 = arith.constant 1 : i32
    %shift_right_logical3A_467 = vector.broadcast %shift_right_logical3A_466 : i32 to vector<1024xi32>
    %shift_right_logical3A_468 = arith.shrui %and3A_465, %shift_right_logical3A_467 : vector<1024xi32>
    %and3A_469 = arith.constant 1431655765 : i32
    %and3A_470 = vector.broadcast %and3A_469 : i32 to vector<1024xi32>
    %and3A_471 = arith.andi %shift_right_logical3A_468, %and3A_470 : vector<1024xi32>
    %sub3A_472 = arith.subi %and3A_465, %and3A_471 : vector<1024xi32>
    %and3A_473 = arith.constant 858993459 : i32
    %and3A_474 = vector.broadcast %and3A_473 : i32 to vector<1024xi32>
    %and3A_475 = arith.andi %sub3A_472, %and3A_474 : vector<1024xi32>
    %shift_right_logical3A_476 = arith.constant 2 : i32
    %shift_right_logical3A_477 = vector.broadcast %shift_right_logical3A_476 : i32 to vector<1024xi32>
    %shift_right_logical3A_478 = arith.shrui %sub3A_472, %shift_right_logical3A_477 : vector<1024xi32>
    %and3A_479 = arith.constant 858993459 : i32
    %and3A_480 = vector.broadcast %and3A_479 : i32 to vector<1024xi32>
    %and3A_481 = arith.andi %shift_right_logical3A_478, %and3A_480 : vector<1024xi32>
    %add3A_482 = arith.addi %and3A_475, %and3A_481 : vector<1024xi32>
    %shift_right_logical3A_483 = arith.constant 4 : i32
    %shift_right_logical3A_484 = vector.broadcast %shift_right_logical3A_483 : i32 to vector<1024xi32>
    %shift_right_logical3A_485 = arith.shrui %add3A_482, %shift_right_logical3A_484 : vector<1024xi32>
    %add3A_486 = arith.addi %add3A_482, %shift_right_logical3A_485 : vector<1024xi32>
    %and3A_487 = arith.constant 252645135 : i32
    %and3A_488 = vector.broadcast %and3A_487 : i32 to vector<1024xi32>
    %and3A_489 = arith.andi %add3A_486, %and3A_488 : vector<1024xi32>
    %mul3A_490 = arith.constant 16843009 : i32
    %mul3A_491 = vector.broadcast %mul3A_490 : i32 to vector<1024xi32>
    %mul3A_492 = arith.muli %and3A_489, %mul3A_491 : vector<1024xi32>
    %shift_right_logical3A_493 = arith.constant 24 : i32
    %shift_right_logical3A_494 = vector.broadcast %shift_right_logical3A_493 : i32 to vector<1024xi32>
    %shift_right_logical3A_495 = arith.shrui %mul3A_492, %shift_right_logical3A_494 : vector<1024xi32>
    %add3A_496 = arith.addi %add3A_420, %shift_right_logical3A_495 : vector<1024xi32>
    %slice3A_497 = vector.extract_strided_slice %get3A_8 {offsets = [6, 0], sizes = [1, 1024], strides = [1, 1]} : vector<8x1024xi32> to vector<1x1024xi32>
    %squeeze3A_498 = vector.shape_cast %slice3A_497 : vector<1x1024xi32> to vector<1024xi32>
    %get3A_499 = arith.constant 1 : index
    %get3A_500 = arith.constant 6 : index
    %get3A_501 = memref.load %arg1[%get3A_499, %get3A_500] : memref<4x8xi32, #tpu.memory_space<smem>>
    %and3A_502 = vector.broadcast %get3A_501 : i32 to vector<1024xi32>
    %and3A_503 = arith.andi %squeeze3A_498, %and3A_502 : vector<1024xi32>
    %shift_right_logical3A_504 = arith.constant 1 : i32
    %shift_right_logical3A_505 = vector.broadcast %shift_right_logical3A_504 : i32 to vector<1024xi32>
    %shift_right_logical3A_506 = arith.shrui %and3A_503, %shift_right_logical3A_505 : vector<1024xi32>
    %and3A_507 = arith.constant 1431655765 : i32
    %and3A_508 = vector.broadcast %and3A_507 : i32 to vector<1024xi32>
    %and3A_509 = arith.andi %shift_right_logical3A_506, %and3A_508 : vector<1024xi32>
    %sub3A_510 = arith.subi %and3A_503, %and3A_509 : vector<1024xi32>
    %and3A_511 = arith.constant 858993459 : i32
    %and3A_512 = vector.broadcast %and3A_511 : i32 to vector<1024xi32>
    %and3A_513 = arith.andi %sub3A_510, %and3A_512 : vector<1024xi32>
    %shift_right_logical3A_514 = arith.constant 2 : i32
    %shift_right_logical3A_515 = vector.broadcast %shift_right_logical3A_514 : i32 to vector<1024xi32>
    %shift_right_logical3A_516 = arith.shrui %sub3A_510, %shift_right_logical3A_515 : vector<1024xi32>
    %and3A_517 = arith.constant 858993459 : i32
    %and3A_518 = vector.broadcast %and3A_517 : i32 to vector<1024xi32>
    %and3A_519 = arith.andi %shift_right_logical3A_516, %and3A_518 : vector<1024xi32>
    %add3A_520 = arith.addi %and3A_513, %and3A_519 : vector<1024xi32>
    %shift_right_logical3A_521 = arith.constant 4 : i32
    %shift_right_logical3A_522 = vector.broadcast %shift_right_logical3A_521 : i32 to vector<1024xi32>
    %shift_right_logical3A_523 = arith.shrui %add3A_520, %shift_right_logical3A_522 : vector<1024xi32>
    %add3A_524 = arith.addi %add3A_520, %shift_right_logical3A_523 : vector<1024xi32>
    %and3A_525 = arith.constant 252645135 : i32
    %and3A_526 = vector.broadcast %and3A_525 : i32 to vector<1024xi32>
    %and3A_527 = arith.andi %add3A_524, %and3A_526 : vector<1024xi32>
    %mul3A_528 = arith.constant 16843009 : i32
    %mul3A_529 = vector.broadcast %mul3A_528 : i32 to vector<1024xi32>
    %mul3A_530 = arith.muli %and3A_527, %mul3A_529 : vector<1024xi32>
    %shift_right_logical3A_531 = arith.constant 24 : i32
    %shift_right_logical3A_532 = vector.broadcast %shift_right_logical3A_531 : i32 to vector<1024xi32>
    %shift_right_logical3A_533 = arith.shrui %mul3A_530, %shift_right_logical3A_532 : vector<1024xi32>
    %add3A_534 = arith.addi %add3A_458, %shift_right_logical3A_533 : vector<1024xi32>
    %slice3A_535 = vector.extract_strided_slice %get3A_8 {offsets = [3, 0], sizes = [1, 1024], strides = [1, 1]} : vector<8x1024xi32> to vector<1x1024xi32>
    %squeeze3A_536 = vector.shape_cast %slice3A_535 : vector<1x1024xi32> to vector<1024xi32>
    %get3A_537 = arith.constant 1 : index
    %get3A_538 = arith.constant 3 : index
    %get3A_539 = memref.load %arg1[%get3A_537, %get3A_538] : memref<4x8xi32, #tpu.memory_space<smem>>
    %and3A_540 = vector.broadcast %get3A_539 : i32 to vector<1024xi32>
    %and3A_541 = arith.andi %squeeze3A_536, %and3A_540 : vector<1024xi32>
    %shift_right_logical3A_542 = arith.constant 1 : i32
    %shift_right_logical3A_543 = vector.broadcast %shift_right_logical3A_542 : i32 to vector<1024xi32>
    %shift_right_logical3A_544 = arith.shrui %and3A_541, %shift_right_logical3A_543 : vector<1024xi32>
    %and3A_545 = arith.constant 1431655765 : i32
    %and3A_546 = vector.broadcast %and3A_545 : i32 to vector<1024xi32>
    %and3A_547 = arith.andi %shift_right_logical3A_544, %and3A_546 : vector<1024xi32>
    %sub3A_548 = arith.subi %and3A_541, %and3A_547 : vector<1024xi32>
    %and3A_549 = arith.constant 858993459 : i32
    %and3A_550 = vector.broadcast %and3A_549 : i32 to vector<1024xi32>
    %and3A_551 = arith.andi %sub3A_548, %and3A_550 : vector<1024xi32>
    %shift_right_logical3A_552 = arith.constant 2 : i32
    %shift_right_logical3A_553 = vector.broadcast %shift_right_logical3A_552 : i32 to vector<1024xi32>
    %shift_right_logical3A_554 = arith.shrui %sub3A_548, %shift_right_logical3A_553 : vector<1024xi32>
    %and3A_555 = arith.constant 858993459 : i32
    %and3A_556 = vector.broadcast %and3A_555 : i32 to vector<1024xi32>
    %and3A_557 = arith.andi %shift_right_logical3A_554, %and3A_556 : vector<1024xi32>
    %add3A_558 = arith.addi %and3A_551, %and3A_557 : vector<1024xi32>
    %shift_right_logical3A_559 = arith.constant 4 : i32
    %shift_right_logical3A_560 = vector.broadcast %shift_right_logical3A_559 : i32 to vector<1024xi32>
    %shift_right_logical3A_561 = arith.shrui %add3A_558, %shift_right_logical3A_560 : vector<1024xi32>
    %add3A_562 = arith.addi %add3A_558, %shift_right_logical3A_561 : vector<1024xi32>
    %and3A_563 = arith.constant 252645135 : i32
    %and3A_564 = vector.broadcast %and3A_563 : i32 to vector<1024xi32>
    %and3A_565 = arith.andi %add3A_562, %and3A_564 : vector<1024xi32>
    %mul3A_566 = arith.constant 16843009 : i32
    %mul3A_567 = vector.broadcast %mul3A_566 : i32 to vector<1024xi32>
    %mul3A_568 = arith.muli %and3A_565, %mul3A_567 : vector<1024xi32>
    %shift_right_logical3A_569 = arith.constant 24 : i32
    %shift_right_logical3A_570 = vector.broadcast %shift_right_logical3A_569 : i32 to vector<1024xi32>
    %shift_right_logical3A_571 = arith.shrui %mul3A_568, %shift_right_logical3A_570 : vector<1024xi32>
    %add3A_572 = arith.addi %add3A_496, %shift_right_logical3A_571 : vector<1024xi32>
    %slice3A_573 = vector.extract_strided_slice %get3A_8 {offsets = [7, 0], sizes = [1, 1024], strides = [1, 1]} : vector<8x1024xi32> to vector<1x1024xi32>
    %squeeze3A_574 = vector.shape_cast %slice3A_573 : vector<1x1024xi32> to vector<1024xi32>
    %get3A_575 = arith.constant 1 : index
    %get3A_576 = arith.constant 7 : index
    %get3A_577 = memref.load %arg1[%get3A_575, %get3A_576] : memref<4x8xi32, #tpu.memory_space<smem>>
    %and3A_578 = vector.broadcast %get3A_577 : i32 to vector<1024xi32>
    %and3A_579 = arith.andi %squeeze3A_574, %and3A_578 : vector<1024xi32>
    %shift_right_logical3A_580 = arith.constant 1 : i32
    %shift_right_logical3A_581 = vector.broadcast %shift_right_logical3A_580 : i32 to vector<1024xi32>
    %shift_right_logical3A_582 = arith.shrui %and3A_579, %shift_right_logical3A_581 : vector<1024xi32>
    %and3A_583 = arith.constant 1431655765 : i32
    %and3A_584 = vector.broadcast %and3A_583 : i32 to vector<1024xi32>
    %and3A_585 = arith.andi %shift_right_logical3A_582, %and3A_584 : vector<1024xi32>
    %sub3A_586 = arith.subi %and3A_579, %and3A_585 : vector<1024xi32>
    %and3A_587 = arith.constant 858993459 : i32
    %and3A_588 = vector.broadcast %and3A_587 : i32 to vector<1024xi32>
    %and3A_589 = arith.andi %sub3A_586, %and3A_588 : vector<1024xi32>
    %shift_right_logical3A_590 = arith.constant 2 : i32
    %shift_right_logical3A_591 = vector.broadcast %shift_right_logical3A_590 : i32 to vector<1024xi32>
    %shift_right_logical3A_592 = arith.shrui %sub3A_586, %shift_right_logical3A_591 : vector<1024xi32>
    %and3A_593 = arith.constant 858993459 : i32
    %and3A_594 = vector.broadcast %and3A_593 : i32 to vector<1024xi32>
    %and3A_595 = arith.andi %shift_right_logical3A_592, %and3A_594 : vector<1024xi32>
    %add3A_596 = arith.addi %and3A_589, %and3A_595 : vector<1024xi32>
    %shift_right_logical3A_597 = arith.constant 4 : i32
    %shift_right_logical3A_598 = vector.broadcast %shift_right_logical3A_597 : i32 to vector<1024xi32>
    %shift_right_logical3A_599 = arith.shrui %add3A_596, %shift_right_logical3A_598 : vector<1024xi32>
    %add3A_600 = arith.addi %add3A_596, %shift_right_logical3A_599 : vector<1024xi32>
    %and3A_601 = arith.constant 252645135 : i32
    %and3A_602 = vector.broadcast %and3A_601 : i32 to vector<1024xi32>
    %and3A_603 = arith.andi %add3A_600, %and3A_602 : vector<1024xi32>
    %mul3A_604 = arith.constant 16843009 : i32
    %mul3A_605 = vector.broadcast %mul3A_604 : i32 to vector<1024xi32>
    %mul3A_606 = arith.muli %and3A_603, %mul3A_605 : vector<1024xi32>
    %shift_right_logical3A_607 = arith.constant 24 : i32
    %shift_right_logical3A_608 = vector.broadcast %shift_right_logical3A_607 : i32 to vector<1024xi32>
    %shift_right_logical3A_609 = arith.shrui %mul3A_606, %shift_right_logical3A_608 : vector<1024xi32>
    %add3A_610 = arith.addi %add3A_534, %shift_right_logical3A_609 : vector<1024xi32>
    %convert_element_type3A_611 = arith.sitofp %add3A_572 : vector<1024xi32> to vector<1024xf32>
    %convert_element_type3A_612 = arith.sitofp %add3A_610 : vector<1024xi32> to vector<1024xf32>
    %div3A_613 = arith.divf %convert_element_type3A_611, %convert_element_type3A_612 : vector<1024xf32>
    %reshape3A_614 = vector.shape_cast %div3A_613 : vector<1024xf32> to vector<1x1024xf32>
    %sub3A_615 = arith.constant 6.400000e+01 : f32
    %sub3A_616 = vector.broadcast %sub3A_615 : f32 to vector<1x1024xf32>
    %sub3A_617 = arith.subf %reshape3A_614, %sub3A_616 : vector<1x1024xf32>
    %exp3A_618 = math.exp %sub3A_617 : vector<1x1024xf32>
    %slice3A_619 = vector.extract_strided_slice %get3A_8 {offsets = [0, 0], sizes = [1, 1024], strides = [1, 1]} : vector<8x1024xi32> to vector<1x1024xi32>
    %squeeze3A_620 = vector.shape_cast %slice3A_619 : vector<1x1024xi32> to vector<1024xi32>
    %get3A_621 = arith.constant 2 : index
    %get3A_622 = arith.constant 0 : index
    %get3A_623 = memref.load %arg1[%get3A_621, %get3A_622] : memref<4x8xi32, #tpu.memory_space<smem>>
    %and3A_624 = vector.broadcast %get3A_623 : i32 to vector<1024xi32>
    %and3A_625 = arith.andi %squeeze3A_620, %and3A_624 : vector<1024xi32>
    %shift_right_logical3A_626 = arith.constant 1 : i32
    %shift_right_logical3A_627 = vector.broadcast %shift_right_logical3A_626 : i32 to vector<1024xi32>
    %shift_right_logical3A_628 = arith.shrui %and3A_625, %shift_right_logical3A_627 : vector<1024xi32>
    %and3A_629 = arith.constant 1431655765 : i32
    %and3A_630 = vector.broadcast %and3A_629 : i32 to vector<1024xi32>
    %and3A_631 = arith.andi %shift_right_logical3A_628, %and3A_630 : vector<1024xi32>
    %sub3A_632 = arith.subi %and3A_625, %and3A_631 : vector<1024xi32>
    %and3A_633 = arith.constant 858993459 : i32
    %and3A_634 = vector.broadcast %and3A_633 : i32 to vector<1024xi32>
    %and3A_635 = arith.andi %sub3A_632, %and3A_634 : vector<1024xi32>
    %shift_right_logical3A_636 = arith.constant 2 : i32
    %shift_right_logical3A_637 = vector.broadcast %shift_right_logical3A_636 : i32 to vector<1024xi32>
    %shift_right_logical3A_638 = arith.shrui %sub3A_632, %shift_right_logical3A_637 : vector<1024xi32>
    %and3A_639 = arith.constant 858993459 : i32
    %and3A_640 = vector.broadcast %and3A_639 : i32 to vector<1024xi32>
    %and3A_641 = arith.andi %shift_right_logical3A_638, %and3A_640 : vector<1024xi32>
    %add3A_642 = arith.addi %and3A_635, %and3A_641 : vector<1024xi32>
    %shift_right_logical3A_643 = arith.constant 4 : i32
    %shift_right_logical3A_644 = vector.broadcast %shift_right_logical3A_643 : i32 to vector<1024xi32>
    %shift_right_logical3A_645 = arith.shrui %add3A_642, %shift_right_logical3A_644 : vector<1024xi32>
    %add3A_646 = arith.addi %add3A_642, %shift_right_logical3A_645 : vector<1024xi32>
    %and3A_647 = arith.constant 252645135 : i32
    %and3A_648 = vector.broadcast %and3A_647 : i32 to vector<1024xi32>
    %and3A_649 = arith.andi %add3A_646, %and3A_648 : vector<1024xi32>
    %mul3A_650 = arith.constant 16843009 : i32
    %mul3A_651 = vector.broadcast %mul3A_650 : i32 to vector<1024xi32>
    %mul3A_652 = arith.muli %and3A_649, %mul3A_651 : vector<1024xi32>
    %shift_right_logical3A_653 = arith.constant 24 : i32
    %shift_right_logical3A_654 = vector.broadcast %shift_right_logical3A_653 : i32 to vector<1024xi32>
    %shift_right_logical3A_655 = arith.shrui %mul3A_652, %shift_right_logical3A_654 : vector<1024xi32>
    %slice3A_656 = vector.extract_strided_slice %get3A_8 {offsets = [4, 0], sizes = [1, 1024], strides = [1, 1]} : vector<8x1024xi32> to vector<1x1024xi32>
    %squeeze3A_657 = vector.shape_cast %slice3A_656 : vector<1x1024xi32> to vector<1024xi32>
    %get3A_658 = arith.constant 2 : index
    %get3A_659 = arith.constant 4 : index
    %get3A_660 = memref.load %arg1[%get3A_658, %get3A_659] : memref<4x8xi32, #tpu.memory_space<smem>>
    %and3A_661 = vector.broadcast %get3A_660 : i32 to vector<1024xi32>
    %and3A_662 = arith.andi %squeeze3A_657, %and3A_661 : vector<1024xi32>
    %shift_right_logical3A_663 = arith.constant 1 : i32
    %shift_right_logical3A_664 = vector.broadcast %shift_right_logical3A_663 : i32 to vector<1024xi32>
    %shift_right_logical3A_665 = arith.shrui %and3A_662, %shift_right_logical3A_664 : vector<1024xi32>
    %and3A_666 = arith.constant 1431655765 : i32
    %and3A_667 = vector.broadcast %and3A_666 : i32 to vector<1024xi32>
    %and3A_668 = arith.andi %shift_right_logical3A_665, %and3A_667 : vector<1024xi32>
    %sub3A_669 = arith.subi %and3A_662, %and3A_668 : vector<1024xi32>
    %and3A_670 = arith.constant 858993459 : i32
    %and3A_671 = vector.broadcast %and3A_670 : i32 to vector<1024xi32>
    %and3A_672 = arith.andi %sub3A_669, %and3A_671 : vector<1024xi32>
    %shift_right_logical3A_673 = arith.constant 2 : i32
    %shift_right_logical3A_674 = vector.broadcast %shift_right_logical3A_673 : i32 to vector<1024xi32>
    %shift_right_logical3A_675 = arith.shrui %sub3A_669, %shift_right_logical3A_674 : vector<1024xi32>
    %and3A_676 = arith.constant 858993459 : i32
    %and3A_677 = vector.broadcast %and3A_676 : i32 to vector<1024xi32>
    %and3A_678 = arith.andi %shift_right_logical3A_675, %and3A_677 : vector<1024xi32>
    %add3A_679 = arith.addi %and3A_672, %and3A_678 : vector<1024xi32>
    %shift_right_logical3A_680 = arith.constant 4 : i32
    %shift_right_logical3A_681 = vector.broadcast %shift_right_logical3A_680 : i32 to vector<1024xi32>
    %shift_right_logical3A_682 = arith.shrui %add3A_679, %shift_right_logical3A_681 : vector<1024xi32>
    %add3A_683 = arith.addi %add3A_679, %shift_right_logical3A_682 : vector<1024xi32>
    %and3A_684 = arith.constant 252645135 : i32
    %and3A_685 = vector.broadcast %and3A_684 : i32 to vector<1024xi32>
    %and3A_686 = arith.andi %add3A_683, %and3A_685 : vector<1024xi32>
    %mul3A_687 = arith.constant 16843009 : i32
    %mul3A_688 = vector.broadcast %mul3A_687 : i32 to vector<1024xi32>
    %mul3A_689 = arith.muli %and3A_686, %mul3A_688 : vector<1024xi32>
    %shift_right_logical3A_690 = arith.constant 24 : i32
    %shift_right_logical3A_691 = vector.broadcast %shift_right_logical3A_690 : i32 to vector<1024xi32>
    %shift_right_logical3A_692 = arith.shrui %mul3A_689, %shift_right_logical3A_691 : vector<1024xi32>
    %slice3A_693 = vector.extract_strided_slice %get3A_8 {offsets = [1, 0], sizes = [1, 1024], strides = [1, 1]} : vector<8x1024xi32> to vector<1x1024xi32>
    %squeeze3A_694 = vector.shape_cast %slice3A_693 : vector<1x1024xi32> to vector<1024xi32>
    %get3A_695 = arith.constant 2 : index
    %get3A_696 = arith.constant 1 : index
    %get3A_697 = memref.load %arg1[%get3A_695, %get3A_696] : memref<4x8xi32, #tpu.memory_space<smem>>
    %and3A_698 = vector.broadcast %get3A_697 : i32 to vector<1024xi32>
    %and3A_699 = arith.andi %squeeze3A_694, %and3A_698 : vector<1024xi32>
    %shift_right_logical3A_700 = arith.constant 1 : i32
    %shift_right_logical3A_701 = vector.broadcast %shift_right_logical3A_700 : i32 to vector<1024xi32>
    %shift_right_logical3A_702 = arith.shrui %and3A_699, %shift_right_logical3A_701 : vector<1024xi32>
    %and3A_703 = arith.constant 1431655765 : i32
    %and3A_704 = vector.broadcast %and3A_703 : i32 to vector<1024xi32>
    %and3A_705 = arith.andi %shift_right_logical3A_702, %and3A_704 : vector<1024xi32>
    %sub3A_706 = arith.subi %and3A_699, %and3A_705 : vector<1024xi32>
    %and3A_707 = arith.constant 858993459 : i32
    %and3A_708 = vector.broadcast %and3A_707 : i32 to vector<1024xi32>
    %and3A_709 = arith.andi %sub3A_706, %and3A_708 : vector<1024xi32>
    %shift_right_logical3A_710 = arith.constant 2 : i32
    %shift_right_logical3A_711 = vector.broadcast %shift_right_logical3A_710 : i32 to vector<1024xi32>
    %shift_right_logical3A_712 = arith.shrui %sub3A_706, %shift_right_logical3A_711 : vector<1024xi32>
    %and3A_713 = arith.constant 858993459 : i32
    %and3A_714 = vector.broadcast %and3A_713 : i32 to vector<1024xi32>
    %and3A_715 = arith.andi %shift_right_logical3A_712, %and3A_714 : vector<1024xi32>
    %add3A_716 = arith.addi %and3A_709, %and3A_715 : vector<1024xi32>
    %shift_right_logical3A_717 = arith.constant 4 : i32
    %shift_right_logical3A_718 = vector.broadcast %shift_right_logical3A_717 : i32 to vector<1024xi32>
    %shift_right_logical3A_719 = arith.shrui %add3A_716, %shift_right_logical3A_718 : vector<1024xi32>
    %add3A_720 = arith.addi %add3A_716, %shift_right_logical3A_719 : vector<1024xi32>
    %and3A_721 = arith.constant 252645135 : i32
    %and3A_722 = vector.broadcast %and3A_721 : i32 to vector<1024xi32>
    %and3A_723 = arith.andi %add3A_720, %and3A_722 : vector<1024xi32>
    %mul3A_724 = arith.constant 16843009 : i32
    %mul3A_725 = vector.broadcast %mul3A_724 : i32 to vector<1024xi32>
    %mul3A_726 = arith.muli %and3A_723, %mul3A_725 : vector<1024xi32>
    %shift_right_logical3A_727 = arith.constant 24 : i32
    %shift_right_logical3A_728 = vector.broadcast %shift_right_logical3A_727 : i32 to vector<1024xi32>
    %shift_right_logical3A_729 = arith.shrui %mul3A_726, %shift_right_logical3A_728 : vector<1024xi32>
    %add3A_730 = arith.addi %shift_right_logical3A_655, %shift_right_logical3A_729 : vector<1024xi32>
    %slice3A_731 = vector.extract_strided_slice %get3A_8 {offsets = [5, 0], sizes = [1, 1024], strides = [1, 1]} : vector<8x1024xi32> to vector<1x1024xi32>
    %squeeze3A_732 = vector.shape_cast %slice3A_731 : vector<1x1024xi32> to vector<1024xi32>
    %get3A_733 = arith.constant 2 : index
    %get3A_734 = arith.constant 5 : index
    %get3A_735 = memref.load %arg1[%get3A_733, %get3A_734] : memref<4x8xi32, #tpu.memory_space<smem>>
    %and3A_736 = vector.broadcast %get3A_735 : i32 to vector<1024xi32>
    %and3A_737 = arith.andi %squeeze3A_732, %and3A_736 : vector<1024xi32>
    %shift_right_logical3A_738 = arith.constant 1 : i32
    %shift_right_logical3A_739 = vector.broadcast %shift_right_logical3A_738 : i32 to vector<1024xi32>
    %shift_right_logical3A_740 = arith.shrui %and3A_737, %shift_right_logical3A_739 : vector<1024xi32>
    %and3A_741 = arith.constant 1431655765 : i32
    %and3A_742 = vector.broadcast %and3A_741 : i32 to vector<1024xi32>
    %and3A_743 = arith.andi %shift_right_logical3A_740, %and3A_742 : vector<1024xi32>
    %sub3A_744 = arith.subi %and3A_737, %and3A_743 : vector<1024xi32>
    %and3A_745 = arith.constant 858993459 : i32
    %and3A_746 = vector.broadcast %and3A_745 : i32 to vector<1024xi32>
    %and3A_747 = arith.andi %sub3A_744, %and3A_746 : vector<1024xi32>
    %shift_right_logical3A_748 = arith.constant 2 : i32
    %shift_right_logical3A_749 = vector.broadcast %shift_right_logical3A_748 : i32 to vector<1024xi32>
    %shift_right_logical3A_750 = arith.shrui %sub3A_744, %shift_right_logical3A_749 : vector<1024xi32>
    %and3A_751 = arith.constant 858993459 : i32
    %and3A_752 = vector.broadcast %and3A_751 : i32 to vector<1024xi32>
    %and3A_753 = arith.andi %shift_right_logical3A_750, %and3A_752 : vector<1024xi32>
    %add3A_754 = arith.addi %and3A_747, %and3A_753 : vector<1024xi32>
    %shift_right_logical3A_755 = arith.constant 4 : i32
    %shift_right_logical3A_756 = vector.broadcast %shift_right_logical3A_755 : i32 to vector<1024xi32>
    %shift_right_logical3A_757 = arith.shrui %add3A_754, %shift_right_logical3A_756 : vector<1024xi32>
    %add3A_758 = arith.addi %add3A_754, %shift_right_logical3A_757 : vector<1024xi32>
    %and3A_759 = arith.constant 252645135 : i32
    %and3A_760 = vector.broadcast %and3A_759 : i32 to vector<1024xi32>
    %and3A_761 = arith.andi %add3A_758, %and3A_760 : vector<1024xi32>
    %mul3A_762 = arith.constant 16843009 : i32
    %mul3A_763 = vector.broadcast %mul3A_762 : i32 to vector<1024xi32>
    %mul3A_764 = arith.muli %and3A_761, %mul3A_763 : vector<1024xi32>
    %shift_right_logical3A_765 = arith.constant 24 : i32
    %shift_right_logical3A_766 = vector.broadcast %shift_right_logical3A_765 : i32 to vector<1024xi32>
    %shift_right_logical3A_767 = arith.shrui %mul3A_764, %shift_right_logical3A_766 : vector<1024xi32>
    %add3A_768 = arith.addi %shift_right_logical3A_692, %shift_right_logical3A_767 : vector<1024xi32>
    %slice3A_769 = vector.extract_strided_slice %get3A_8 {offsets = [2, 0], sizes = [1, 1024], strides = [1, 1]} : vector<8x1024xi32> to vector<1x1024xi32>
    %squeeze3A_770 = vector.shape_cast %slice3A_769 : vector<1x1024xi32> to vector<1024xi32>
    %get3A_771 = arith.constant 2 : index
    %get3A_772 = arith.constant 2 : index
    %get3A_773 = memref.load %arg1[%get3A_771, %get3A_772] : memref<4x8xi32, #tpu.memory_space<smem>>
    %and3A_774 = vector.broadcast %get3A_773 : i32 to vector<1024xi32>
    %and3A_775 = arith.andi %squeeze3A_770, %and3A_774 : vector<1024xi32>
    %shift_right_logical3A_776 = arith.constant 1 : i32
    %shift_right_logical3A_777 = vector.broadcast %shift_right_logical3A_776 : i32 to vector<1024xi32>
    %shift_right_logical3A_778 = arith.shrui %and3A_775, %shift_right_logical3A_777 : vector<1024xi32>
    %and3A_779 = arith.constant 1431655765 : i32
    %and3A_780 = vector.broadcast %and3A_779 : i32 to vector<1024xi32>
    %and3A_781 = arith.andi %shift_right_logical3A_778, %and3A_780 : vector<1024xi32>
    %sub3A_782 = arith.subi %and3A_775, %and3A_781 : vector<1024xi32>
    %and3A_783 = arith.constant 858993459 : i32
    %and3A_784 = vector.broadcast %and3A_783 : i32 to vector<1024xi32>
    %and3A_785 = arith.andi %sub3A_782, %and3A_784 : vector<1024xi32>
    %shift_right_logical3A_786 = arith.constant 2 : i32
    %shift_right_logical3A_787 = vector.broadcast %shift_right_logical3A_786 : i32 to vector<1024xi32>
    %shift_right_logical3A_788 = arith.shrui %sub3A_782, %shift_right_logical3A_787 : vector<1024xi32>
    %and3A_789 = arith.constant 858993459 : i32
    %and3A_790 = vector.broadcast %and3A_789 : i32 to vector<1024xi32>
    %and3A_791 = arith.andi %shift_right_logical3A_788, %and3A_790 : vector<1024xi32>
    %add3A_792 = arith.addi %and3A_785, %and3A_791 : vector<1024xi32>
    %shift_right_logical3A_793 = arith.constant 4 : i32
    %shift_right_logical3A_794 = vector.broadcast %shift_right_logical3A_793 : i32 to vector<1024xi32>
    %shift_right_logical3A_795 = arith.shrui %add3A_792, %shift_right_logical3A_794 : vector<1024xi32>
    %add3A_796 = arith.addi %add3A_792, %shift_right_logical3A_795 : vector<1024xi32>
    %and3A_797 = arith.constant 252645135 : i32
    %and3A_798 = vector.broadcast %and3A_797 : i32 to vector<1024xi32>
    %and3A_799 = arith.andi %add3A_796, %and3A_798 : vector<1024xi32>
    %mul3A_800 = arith.constant 16843009 : i32
    %mul3A_801 = vector.broadcast %mul3A_800 : i32 to vector<1024xi32>
    %mul3A_802 = arith.muli %and3A_799, %mul3A_801 : vector<1024xi32>
    %shift_right_logical3A_803 = arith.constant 24 : i32
    %shift_right_logical3A_804 = vector.broadcast %shift_right_logical3A_803 : i32 to vector<1024xi32>
    %shift_right_logical3A_805 = arith.shrui %mul3A_802, %shift_right_logical3A_804 : vector<1024xi32>
    %add3A_806 = arith.addi %add3A_730, %shift_right_logical3A_805 : vector<1024xi32>
    %slice3A_807 = vector.extract_strided_slice %get3A_8 {offsets = [6, 0], sizes = [1, 1024], strides = [1, 1]} : vector<8x1024xi32> to vector<1x1024xi32>
    %squeeze3A_808 = vector.shape_cast %slice3A_807 : vector<1x1024xi32> to vector<1024xi32>
    %get3A_809 = arith.constant 2 : index
    %get3A_810 = arith.constant 6 : index
    %get3A_811 = memref.load %arg1[%get3A_809, %get3A_810] : memref<4x8xi32, #tpu.memory_space<smem>>
    %and3A_812 = vector.broadcast %get3A_811 : i32 to vector<1024xi32>
    %and3A_813 = arith.andi %squeeze3A_808, %and3A_812 : vector<1024xi32>
    %shift_right_logical3A_814 = arith.constant 1 : i32
    %shift_right_logical3A_815 = vector.broadcast %shift_right_logical3A_814 : i32 to vector<1024xi32>
    %shift_right_logical3A_816 = arith.shrui %and3A_813, %shift_right_logical3A_815 : vector<1024xi32>
    %and3A_817 = arith.constant 1431655765 : i32
    %and3A_818 = vector.broadcast %and3A_817 : i32 to vector<1024xi32>
    %and3A_819 = arith.andi %shift_right_logical3A_816, %and3A_818 : vector<1024xi32>
    %sub3A_820 = arith.subi %and3A_813, %and3A_819 : vector<1024xi32>
    %and3A_821 = arith.constant 858993459 : i32
    %and3A_822 = vector.broadcast %and3A_821 : i32 to vector<1024xi32>
    %and3A_823 = arith.andi %sub3A_820, %and3A_822 : vector<1024xi32>
    %shift_right_logical3A_824 = arith.constant 2 : i32
    %shift_right_logical3A_825 = vector.broadcast %shift_right_logical3A_824 : i32 to vector<1024xi32>
    %shift_right_logical3A_826 = arith.shrui %sub3A_820, %shift_right_logical3A_825 : vector<1024xi32>
    %and3A_827 = arith.constant 858993459 : i32
    %and3A_828 = vector.broadcast %and3A_827 : i32 to vector<1024xi32>
    %and3A_829 = arith.andi %shift_right_logical3A_826, %and3A_828 : vector<1024xi32>
    %add3A_830 = arith.addi %and3A_823, %and3A_829 : vector<1024xi32>
    %shift_right_logical3A_831 = arith.constant 4 : i32
    %shift_right_logical3A_832 = vector.broadcast %shift_right_logical3A_831 : i32 to vector<1024xi32>
    %shift_right_logical3A_833 = arith.shrui %add3A_830, %shift_right_logical3A_832 : vector<1024xi32>
    %add3A_834 = arith.addi %add3A_830, %shift_right_logical3A_833 : vector<1024xi32>
    %and3A_835 = arith.constant 252645135 : i32
    %and3A_836 = vector.broadcast %and3A_835 : i32 to vector<1024xi32>
    %and3A_837 = arith.andi %add3A_834, %and3A_836 : vector<1024xi32>
    %mul3A_838 = arith.constant 16843009 : i32
    %mul3A_839 = vector.broadcast %mul3A_838 : i32 to vector<1024xi32>
    %mul3A_840 = arith.muli %and3A_837, %mul3A_839 : vector<1024xi32>
    %shift_right_logical3A_841 = arith.constant 24 : i32
    %shift_right_logical3A_842 = vector.broadcast %shift_right_logical3A_841 : i32 to vector<1024xi32>
    %shift_right_logical3A_843 = arith.shrui %mul3A_840, %shift_right_logical3A_842 : vector<1024xi32>
    %add3A_844 = arith.addi %add3A_768, %shift_right_logical3A_843 : vector<1024xi32>
    %slice3A_845 = vector.extract_strided_slice %get3A_8 {offsets = [3, 0], sizes = [1, 1024], strides = [1, 1]} : vector<8x1024xi32> to vector<1x1024xi32>
    %squeeze3A_846 = vector.shape_cast %slice3A_845 : vector<1x1024xi32> to vector<1024xi32>
    %get3A_847 = arith.constant 2 : index
    %get3A_848 = arith.constant 3 : index
    %get3A_849 = memref.load %arg1[%get3A_847, %get3A_848] : memref<4x8xi32, #tpu.memory_space<smem>>
    %and3A_850 = vector.broadcast %get3A_849 : i32 to vector<1024xi32>
    %and3A_851 = arith.andi %squeeze3A_846, %and3A_850 : vector<1024xi32>
    %shift_right_logical3A_852 = arith.constant 1 : i32
    %shift_right_logical3A_853 = vector.broadcast %shift_right_logical3A_852 : i32 to vector<1024xi32>
    %shift_right_logical3A_854 = arith.shrui %and3A_851, %shift_right_logical3A_853 : vector<1024xi32>
    %and3A_855 = arith.constant 1431655765 : i32
    %and3A_856 = vector.broadcast %and3A_855 : i32 to vector<1024xi32>
    %and3A_857 = arith.andi %shift_right_logical3A_854, %and3A_856 : vector<1024xi32>
    %sub3A_858 = arith.subi %and3A_851, %and3A_857 : vector<1024xi32>
    %and3A_859 = arith.constant 858993459 : i32
    %and3A_860 = vector.broadcast %and3A_859 : i32 to vector<1024xi32>
    %and3A_861 = arith.andi %sub3A_858, %and3A_860 : vector<1024xi32>
    %shift_right_logical3A_862 = arith.constant 2 : i32
    %shift_right_logical3A_863 = vector.broadcast %shift_right_logical3A_862 : i32 to vector<1024xi32>
    %shift_right_logical3A_864 = arith.shrui %sub3A_858, %shift_right_logical3A_863 : vector<1024xi32>
    %and3A_865 = arith.constant 858993459 : i32
    %and3A_866 = vector.broadcast %and3A_865 : i32 to vector<1024xi32>
    %and3A_867 = arith.andi %shift_right_logical3A_864, %and3A_866 : vector<1024xi32>
    %add3A_868 = arith.addi %and3A_861, %and3A_867 : vector<1024xi32>
    %shift_right_logical3A_869 = arith.constant 4 : i32
    %shift_right_logical3A_870 = vector.broadcast %shift_right_logical3A_869 : i32 to vector<1024xi32>
    %shift_right_logical3A_871 = arith.shrui %add3A_868, %shift_right_logical3A_870 : vector<1024xi32>
    %add3A_872 = arith.addi %add3A_868, %shift_right_logical3A_871 : vector<1024xi32>
    %and3A_873 = arith.constant 252645135 : i32
    %and3A_874 = vector.broadcast %and3A_873 : i32 to vector<1024xi32>
    %and3A_875 = arith.andi %add3A_872, %and3A_874 : vector<1024xi32>
    %mul3A_876 = arith.constant 16843009 : i32
    %mul3A_877 = vector.broadcast %mul3A_876 : i32 to vector<1024xi32>
    %mul3A_878 = arith.muli %and3A_875, %mul3A_877 : vector<1024xi32>
    %shift_right_logical3A_879 = arith.constant 24 : i32
    %shift_right_logical3A_880 = vector.broadcast %shift_right_logical3A_879 : i32 to vector<1024xi32>
    %shift_right_logical3A_881 = arith.shrui %mul3A_878, %shift_right_logical3A_880 : vector<1024xi32>
    %add3A_882 = arith.addi %add3A_806, %shift_right_logical3A_881 : vector<1024xi32>
    %slice3A_883 = vector.extract_strided_slice %get3A_8 {offsets = [7, 0], sizes = [1, 1024], strides = [1, 1]} : vector<8x1024xi32> to vector<1x1024xi32>
    %squeeze3A_884 = vector.shape_cast %slice3A_883 : vector<1x1024xi32> to vector<1024xi32>
    %get3A_885 = arith.constant 2 : index
    %get3A_886 = arith.constant 7 : index
    %get3A_887 = memref.load %arg1[%get3A_885, %get3A_886] : memref<4x8xi32, #tpu.memory_space<smem>>
    %and3A_888 = vector.broadcast %get3A_887 : i32 to vector<1024xi32>
    %and3A_889 = arith.andi %squeeze3A_884, %and3A_888 : vector<1024xi32>
    %shift_right_logical3A_890 = arith.constant 1 : i32
    %shift_right_logical3A_891 = vector.broadcast %shift_right_logical3A_890 : i32 to vector<1024xi32>
    %shift_right_logical3A_892 = arith.shrui %and3A_889, %shift_right_logical3A_891 : vector<1024xi32>
    %and3A_893 = arith.constant 1431655765 : i32
    %and3A_894 = vector.broadcast %and3A_893 : i32 to vector<1024xi32>
    %and3A_895 = arith.andi %shift_right_logical3A_892, %and3A_894 : vector<1024xi32>
    %sub3A_896 = arith.subi %and3A_889, %and3A_895 : vector<1024xi32>
    %and3A_897 = arith.constant 858993459 : i32
    %and3A_898 = vector.broadcast %and3A_897 : i32 to vector<1024xi32>
    %and3A_899 = arith.andi %sub3A_896, %and3A_898 : vector<1024xi32>
    %shift_right_logical3A_900 = arith.constant 2 : i32
    %shift_right_logical3A_901 = vector.broadcast %shift_right_logical3A_900 : i32 to vector<1024xi32>
    %shift_right_logical3A_902 = arith.shrui %sub3A_896, %shift_right_logical3A_901 : vector<1024xi32>
    %and3A_903 = arith.constant 858993459 : i32
    %and3A_904 = vector.broadcast %and3A_903 : i32 to vector<1024xi32>
    %and3A_905 = arith.andi %shift_right_logical3A_902, %and3A_904 : vector<1024xi32>
    %add3A_906 = arith.addi %and3A_899, %and3A_905 : vector<1024xi32>
    %shift_right_logical3A_907 = arith.constant 4 : i32
    %shift_right_logical3A_908 = vector.broadcast %shift_right_logical3A_907 : i32 to vector<1024xi32>
    %shift_right_logical3A_909 = arith.shrui %add3A_906, %shift_right_logical3A_908 : vector<1024xi32>
    %add3A_910 = arith.addi %add3A_906, %shift_right_logical3A_909 : vector<1024xi32>
    %and3A_911 = arith.constant 252645135 : i32
    %and3A_912 = vector.broadcast %and3A_911 : i32 to vector<1024xi32>
    %and3A_913 = arith.andi %add3A_910, %and3A_912 : vector<1024xi32>
    %mul3A_914 = arith.constant 16843009 : i32
    %mul3A_915 = vector.broadcast %mul3A_914 : i32 to vector<1024xi32>
    %mul3A_916 = arith.muli %and3A_913, %mul3A_915 : vector<1024xi32>
    %shift_right_logical3A_917 = arith.constant 24 : i32
    %shift_right_logical3A_918 = vector.broadcast %shift_right_logical3A_917 : i32 to vector<1024xi32>
    %shift_right_logical3A_919 = arith.shrui %mul3A_916, %shift_right_logical3A_918 : vector<1024xi32>
    %add3A_920 = arith.addi %add3A_844, %shift_right_logical3A_919 : vector<1024xi32>
    %convert_element_type3A_921 = arith.sitofp %add3A_882 : vector<1024xi32> to vector<1024xf32>
    %convert_element_type3A_922 = arith.sitofp %add3A_920 : vector<1024xi32> to vector<1024xf32>
    %div3A_923 = arith.divf %convert_element_type3A_921, %convert_element_type3A_922 : vector<1024xf32>
    %reshape3A_924 = vector.shape_cast %div3A_923 : vector<1024xf32> to vector<1x1024xf32>
    %sub3A_925 = arith.constant 6.400000e+01 : f32
    %sub3A_926 = vector.broadcast %sub3A_925 : f32 to vector<1x1024xf32>
    %sub3A_927 = arith.subf %reshape3A_924, %sub3A_926 : vector<1x1024xf32>
    %exp3A_928 = math.exp %sub3A_927 : vector<1x1024xf32>
    %slice3A_929 = vector.extract_strided_slice %get3A_8 {offsets = [0, 0], sizes = [1, 1024], strides = [1, 1]} : vector<8x1024xi32> to vector<1x1024xi32>
    %squeeze3A_930 = vector.shape_cast %slice3A_929 : vector<1x1024xi32> to vector<1024xi32>
    %get3A_931 = arith.constant 3 : index
    %get3A_932 = arith.constant 0 : index
    %get3A_933 = memref.load %arg1[%get3A_931, %get3A_932] : memref<4x8xi32, #tpu.memory_space<smem>>
    %and3A_934 = vector.broadcast %get3A_933 : i32 to vector<1024xi32>
    %and3A_935 = arith.andi %squeeze3A_930, %and3A_934 : vector<1024xi32>
    %shift_right_logical3A_936 = arith.constant 1 : i32
    %shift_right_logical3A_937 = vector.broadcast %shift_right_logical3A_936 : i32 to vector<1024xi32>
    %shift_right_logical3A_938 = arith.shrui %and3A_935, %shift_right_logical3A_937 : vector<1024xi32>
    %and3A_939 = arith.constant 1431655765 : i32
    %and3A_940 = vector.broadcast %and3A_939 : i32 to vector<1024xi32>
    %and3A_941 = arith.andi %shift_right_logical3A_938, %and3A_940 : vector<1024xi32>
    %sub3A_942 = arith.subi %and3A_935, %and3A_941 : vector<1024xi32>
    %and3A_943 = arith.constant 858993459 : i32
    %and3A_944 = vector.broadcast %and3A_943 : i32 to vector<1024xi32>
    %and3A_945 = arith.andi %sub3A_942, %and3A_944 : vector<1024xi32>
    %shift_right_logical3A_946 = arith.constant 2 : i32
    %shift_right_logical3A_947 = vector.broadcast %shift_right_logical3A_946 : i32 to vector<1024xi32>
    %shift_right_logical3A_948 = arith.shrui %sub3A_942, %shift_right_logical3A_947 : vector<1024xi32>
    %and3A_949 = arith.constant 858993459 : i32
    %and3A_950 = vector.broadcast %and3A_949 : i32 to vector<1024xi32>
    %and3A_951 = arith.andi %shift_right_logical3A_948, %and3A_950 : vector<1024xi32>
    %add3A_952 = arith.addi %and3A_945, %and3A_951 : vector<1024xi32>
    %shift_right_logical3A_953 = arith.constant 4 : i32
    %shift_right_logical3A_954 = vector.broadcast %shift_right_logical3A_953 : i32 to vector<1024xi32>
    %shift_right_logical3A_955 = arith.shrui %add3A_952, %shift_right_logical3A_954 : vector<1024xi32>
    %add3A_956 = arith.addi %add3A_952, %shift_right_logical3A_955 : vector<1024xi32>
    %and3A_957 = arith.constant 252645135 : i32
    %and3A_958 = vector.broadcast %and3A_957 : i32 to vector<1024xi32>
    %and3A_959 = arith.andi %add3A_956, %and3A_958 : vector<1024xi32>
    %mul3A_960 = arith.constant 16843009 : i32
    %mul3A_961 = vector.broadcast %mul3A_960 : i32 to vector<1024xi32>
    %mul3A_962 = arith.muli %and3A_959, %mul3A_961 : vector<1024xi32>
    %shift_right_logical3A_963 = arith.constant 24 : i32
    %shift_right_logical3A_964 = vector.broadcast %shift_right_logical3A_963 : i32 to vector<1024xi32>
    %shift_right_logical3A_965 = arith.shrui %mul3A_962, %shift_right_logical3A_964 : vector<1024xi32>
    %slice3A_966 = vector.extract_strided_slice %get3A_8 {offsets = [4, 0], sizes = [1, 1024], strides = [1, 1]} : vector<8x1024xi32> to vector<1x1024xi32>
    %squeeze3A_967 = vector.shape_cast %slice3A_966 : vector<1x1024xi32> to vector<1024xi32>
    %get3A_968 = arith.constant 3 : index
    %get3A_969 = arith.constant 4 : index
    %get3A_970 = memref.load %arg1[%get3A_968, %get3A_969] : memref<4x8xi32, #tpu.memory_space<smem>>
    %and3A_971 = vector.broadcast %get3A_970 : i32 to vector<1024xi32>
    %and3A_972 = arith.andi %squeeze3A_967, %and3A_971 : vector<1024xi32>
    %shift_right_logical3A_973 = arith.constant 1 : i32
    %shift_right_logical3A_974 = vector.broadcast %shift_right_logical3A_973 : i32 to vector<1024xi32>
    %shift_right_logical3A_975 = arith.shrui %and3A_972, %shift_right_logical3A_974 : vector<1024xi32>
    %and3A_976 = arith.constant 1431655765 : i32
    %and3A_977 = vector.broadcast %and3A_976 : i32 to vector<1024xi32>
    %and3A_978 = arith.andi %shift_right_logical3A_975, %and3A_977 : vector<1024xi32>
    %sub3A_979 = arith.subi %and3A_972, %and3A_978 : vector<1024xi32>
    %and3A_980 = arith.constant 858993459 : i32
    %and3A_981 = vector.broadcast %and3A_980 : i32 to vector<1024xi32>
    %and3A_982 = arith.andi %sub3A_979, %and3A_981 : vector<1024xi32>
    %shift_right_logical3A_983 = arith.constant 2 : i32
    %shift_right_logical3A_984 = vector.broadcast %shift_right_logical3A_983 : i32 to vector<1024xi32>
    %shift_right_logical3A_985 = arith.shrui %sub3A_979, %shift_right_logical3A_984 : vector<1024xi32>
    %and3A_986 = arith.constant 858993459 : i32
    %and3A_987 = vector.broadcast %and3A_986 : i32 to vector<1024xi32>
    %and3A_988 = arith.andi %shift_right_logical3A_985, %and3A_987 : vector<1024xi32>
    %add3A_989 = arith.addi %and3A_982, %and3A_988 : vector<1024xi32>
    %shift_right_logical3A_990 = arith.constant 4 : i32
    %shift_right_logical3A_991 = vector.broadcast %shift_right_logical3A_990 : i32 to vector<1024xi32>
    %shift_right_logical3A_992 = arith.shrui %add3A_989, %shift_right_logical3A_991 : vector<1024xi32>
    %add3A_993 = arith.addi %add3A_989, %shift_right_logical3A_992 : vector<1024xi32>
    %and3A_994 = arith.constant 252645135 : i32
    %and3A_995 = vector.broadcast %and3A_994 : i32 to vector<1024xi32>
    %and3A_996 = arith.andi %add3A_993, %and3A_995 : vector<1024xi32>
    %mul3A_997 = arith.constant 16843009 : i32
    %mul3A_998 = vector.broadcast %mul3A_997 : i32 to vector<1024xi32>
    %mul3A_999 = arith.muli %and3A_996, %mul3A_998 : vector<1024xi32>
    %shift_right_logical3A_1000 = arith.constant 24 : i32
    %shift_right_logical3A_1001 = vector.broadcast %shift_right_logical3A_1000 : i32 to vector<1024xi32>
    %shift_right_logical3A_1002 = arith.shrui %mul3A_999, %shift_right_logical3A_1001 : vector<1024xi32>
    %slice3A_1003 = vector.extract_strided_slice %get3A_8 {offsets = [1, 0], sizes = [1, 1024], strides = [1, 1]} : vector<8x1024xi32> to vector<1x1024xi32>
    %squeeze3A_1004 = vector.shape_cast %slice3A_1003 : vector<1x1024xi32> to vector<1024xi32>
    %get3A_1005 = arith.constant 3 : index
    %get3A_1006 = arith.constant 1 : index
    %get3A_1007 = memref.load %arg1[%get3A_1005, %get3A_1006] : memref<4x8xi32, #tpu.memory_space<smem>>
    %and3A_1008 = vector.broadcast %get3A_1007 : i32 to vector<1024xi32>
    %and3A_1009 = arith.andi %squeeze3A_1004, %and3A_1008 : vector<1024xi32>
    %shift_right_logical3A_1010 = arith.constant 1 : i32
    %shift_right_logical3A_1011 = vector.broadcast %shift_right_logical3A_1010 : i32 to vector<1024xi32>
    %shift_right_logical3A_1012 = arith.shrui %and3A_1009, %shift_right_logical3A_1011 : vector<1024xi32>
    %and3A_1013 = arith.constant 1431655765 : i32
    %and3A_1014 = vector.broadcast %and3A_1013 : i32 to vector<1024xi32>
    %and3A_1015 = arith.andi %shift_right_logical3A_1012, %and3A_1014 : vector<1024xi32>
    %sub3A_1016 = arith.subi %and3A_1009, %and3A_1015 : vector<1024xi32>
    %and3A_1017 = arith.constant 858993459 : i32
    %and3A_1018 = vector.broadcast %and3A_1017 : i32 to vector<1024xi32>
    %and3A_1019 = arith.andi %sub3A_1016, %and3A_1018 : vector<1024xi32>
    %shift_right_logical3A_1020 = arith.constant 2 : i32
    %shift_right_logical3A_1021 = vector.broadcast %shift_right_logical3A_1020 : i32 to vector<1024xi32>
    %shift_right_logical3A_1022 = arith.shrui %sub3A_1016, %shift_right_logical3A_1021 : vector<1024xi32>
    %and3A_1023 = arith.constant 858993459 : i32
    %and3A_1024 = vector.broadcast %and3A_1023 : i32 to vector<1024xi32>
    %and3A_1025 = arith.andi %shift_right_logical3A_1022, %and3A_1024 : vector<1024xi32>
    %add3A_1026 = arith.addi %and3A_1019, %and3A_1025 : vector<1024xi32>
    %shift_right_logical3A_1027 = arith.constant 4 : i32
    %shift_right_logical3A_1028 = vector.broadcast %shift_right_logical3A_1027 : i32 to vector<1024xi32>
    %shift_right_logical3A_1029 = arith.shrui %add3A_1026, %shift_right_logical3A_1028 : vector<1024xi32>
    %add3A_1030 = arith.addi %add3A_1026, %shift_right_logical3A_1029 : vector<1024xi32>
    %and3A_1031 = arith.constant 252645135 : i32
    %and3A_1032 = vector.broadcast %and3A_1031 : i32 to vector<1024xi32>
    %and3A_1033 = arith.andi %add3A_1030, %and3A_1032 : vector<1024xi32>
    %mul3A_1034 = arith.constant 16843009 : i32
    %mul3A_1035 = vector.broadcast %mul3A_1034 : i32 to vector<1024xi32>
    %mul3A_1036 = arith.muli %and3A_1033, %mul3A_1035 : vector<1024xi32>
    %shift_right_logical3A_1037 = arith.constant 24 : i32
    %shift_right_logical3A_1038 = vector.broadcast %shift_right_logical3A_1037 : i32 to vector<1024xi32>
    %shift_right_logical3A_1039 = arith.shrui %mul3A_1036, %shift_right_logical3A_1038 : vector<1024xi32>
    %add3A_1040 = arith.addi %shift_right_logical3A_965, %shift_right_logical3A_1039 : vector<1024xi32>
    %slice3A_1041 = vector.extract_strided_slice %get3A_8 {offsets = [5, 0], sizes = [1, 1024], strides = [1, 1]} : vector<8x1024xi32> to vector<1x1024xi32>
    %squeeze3A_1042 = vector.shape_cast %slice3A_1041 : vector<1x1024xi32> to vector<1024xi32>
    %get3A_1043 = arith.constant 3 : index
    %get3A_1044 = arith.constant 5 : index
    %get3A_1045 = memref.load %arg1[%get3A_1043, %get3A_1044] : memref<4x8xi32, #tpu.memory_space<smem>>
    %and3A_1046 = vector.broadcast %get3A_1045 : i32 to vector<1024xi32>
    %and3A_1047 = arith.andi %squeeze3A_1042, %and3A_1046 : vector<1024xi32>
    %shift_right_logical3A_1048 = arith.constant 1 : i32
    %shift_right_logical3A_1049 = vector.broadcast %shift_right_logical3A_1048 : i32 to vector<1024xi32>
    %shift_right_logical3A_1050 = arith.shrui %and3A_1047, %shift_right_logical3A_1049 : vector<1024xi32>
    %and3A_1051 = arith.constant 1431655765 : i32
    %and3A_1052 = vector.broadcast %and3A_1051 : i32 to vector<1024xi32>
    %and3A_1053 = arith.andi %shift_right_logical3A_1050, %and3A_1052 : vector<1024xi32>
    %sub3A_1054 = arith.subi %and3A_1047, %and3A_1053 : vector<1024xi32>
    %and3A_1055 = arith.constant 858993459 : i32
    %and3A_1056 = vector.broadcast %and3A_1055 : i32 to vector<1024xi32>
    %and3A_1057 = arith.andi %sub3A_1054, %and3A_1056 : vector<1024xi32>
    %shift_right_logical3A_1058 = arith.constant 2 : i32
    %shift_right_logical3A_1059 = vector.broadcast %shift_right_logical3A_1058 : i32 to vector<1024xi32>
    %shift_right_logical3A_1060 = arith.shrui %sub3A_1054, %shift_right_logical3A_1059 : vector<1024xi32>
    %and3A_1061 = arith.constant 858993459 : i32
    %and3A_1062 = vector.broadcast %and3A_1061 : i32 to vector<1024xi32>
    %and3A_1063 = arith.andi %shift_right_logical3A_1060, %and3A_1062 : vector<1024xi32>
    %add3A_1064 = arith.addi %and3A_1057, %and3A_1063 : vector<1024xi32>
    %shift_right_logical3A_1065 = arith.constant 4 : i32
    %shift_right_logical3A_1066 = vector.broadcast %shift_right_logical3A_1065 : i32 to vector<1024xi32>
    %shift_right_logical3A_1067 = arith.shrui %add3A_1064, %shift_right_logical3A_1066 : vector<1024xi32>
    %add3A_1068 = arith.addi %add3A_1064, %shift_right_logical3A_1067 : vector<1024xi32>
    %and3A_1069 = arith.constant 252645135 : i32
    %and3A_1070 = vector.broadcast %and3A_1069 : i32 to vector<1024xi32>
    %and3A_1071 = arith.andi %add3A_1068, %and3A_1070 : vector<1024xi32>
    %mul3A_1072 = arith.constant 16843009 : i32
    %mul3A_1073 = vector.broadcast %mul3A_1072 : i32 to vector<1024xi32>
    %mul3A_1074 = arith.muli %and3A_1071, %mul3A_1073 : vector<1024xi32>
    %shift_right_logical3A_1075 = arith.constant 24 : i32
    %shift_right_logical3A_1076 = vector.broadcast %shift_right_logical3A_1075 : i32 to vector<1024xi32>
    %shift_right_logical3A_1077 = arith.shrui %mul3A_1074, %shift_right_logical3A_1076 : vector<1024xi32>
    %add3A_1078 = arith.addi %shift_right_logical3A_1002, %shift_right_logical3A_1077 : vector<1024xi32>
    %slice3A_1079 = vector.extract_strided_slice %get3A_8 {offsets = [2, 0], sizes = [1, 1024], strides = [1, 1]} : vector<8x1024xi32> to vector<1x1024xi32>
    %squeeze3A_1080 = vector.shape_cast %slice3A_1079 : vector<1x1024xi32> to vector<1024xi32>
    %get3A_1081 = arith.constant 3 : index
    %get3A_1082 = arith.constant 2 : index
    %get3A_1083 = memref.load %arg1[%get3A_1081, %get3A_1082] : memref<4x8xi32, #tpu.memory_space<smem>>
    %and3A_1084 = vector.broadcast %get3A_1083 : i32 to vector<1024xi32>
    %and3A_1085 = arith.andi %squeeze3A_1080, %and3A_1084 : vector<1024xi32>
    %shift_right_logical3A_1086 = arith.constant 1 : i32
    %shift_right_logical3A_1087 = vector.broadcast %shift_right_logical3A_1086 : i32 to vector<1024xi32>
    %shift_right_logical3A_1088 = arith.shrui %and3A_1085, %shift_right_logical3A_1087 : vector<1024xi32>
    %and3A_1089 = arith.constant 1431655765 : i32
    %and3A_1090 = vector.broadcast %and3A_1089 : i32 to vector<1024xi32>
    %and3A_1091 = arith.andi %shift_right_logical3A_1088, %and3A_1090 : vector<1024xi32>
    %sub3A_1092 = arith.subi %and3A_1085, %and3A_1091 : vector<1024xi32>
    %and3A_1093 = arith.constant 858993459 : i32
    %and3A_1094 = vector.broadcast %and3A_1093 : i32 to vector<1024xi32>
    %and3A_1095 = arith.andi %sub3A_1092, %and3A_1094 : vector<1024xi32>
    %shift_right_logical3A_1096 = arith.constant 2 : i32
    %shift_right_logical3A_1097 = vector.broadcast %shift_right_logical3A_1096 : i32 to vector<1024xi32>
    %shift_right_logical3A_1098 = arith.shrui %sub3A_1092, %shift_right_logical3A_1097 : vector<1024xi32>
    %and3A_1099 = arith.constant 858993459 : i32
    %and3A_1100 = vector.broadcast %and3A_1099 : i32 to vector<1024xi32>
    %and3A_1101 = arith.andi %shift_right_logical3A_1098, %and3A_1100 : vector<1024xi32>
    %add3A_1102 = arith.addi %and3A_1095, %and3A_1101 : vector<1024xi32>
    %shift_right_logical3A_1103 = arith.constant 4 : i32
    %shift_right_logical3A_1104 = vector.broadcast %shift_right_logical3A_1103 : i32 to vector<1024xi32>
    %shift_right_logical3A_1105 = arith.shrui %add3A_1102, %shift_right_logical3A_1104 : vector<1024xi32>
    %add3A_1106 = arith.addi %add3A_1102, %shift_right_logical3A_1105 : vector<1024xi32>
    %and3A_1107 = arith.constant 252645135 : i32
    %and3A_1108 = vector.broadcast %and3A_1107 : i32 to vector<1024xi32>
    %and3A_1109 = arith.andi %add3A_1106, %and3A_1108 : vector<1024xi32>
    %mul3A_1110 = arith.constant 16843009 : i32
    %mul3A_1111 = vector.broadcast %mul3A_1110 : i32 to vector<1024xi32>
    %mul3A_1112 = arith.muli %and3A_1109, %mul3A_1111 : vector<1024xi32>
    %shift_right_logical3A_1113 = arith.constant 24 : i32
    %shift_right_logical3A_1114 = vector.broadcast %shift_right_logical3A_1113 : i32 to vector<1024xi32>
    %shift_right_logical3A_1115 = arith.shrui %mul3A_1112, %shift_right_logical3A_1114 : vector<1024xi32>
    %add3A_1116 = arith.addi %add3A_1040, %shift_right_logical3A_1115 : vector<1024xi32>
    %slice3A_1117 = vector.extract_strided_slice %get3A_8 {offsets = [6, 0], sizes = [1, 1024], strides = [1, 1]} : vector<8x1024xi32> to vector<1x1024xi32>
    %squeeze3A_1118 = vector.shape_cast %slice3A_1117 : vector<1x1024xi32> to vector<1024xi32>
    %get3A_1119 = arith.constant 3 : index
    %get3A_1120 = arith.constant 6 : index
    %get3A_1121 = memref.load %arg1[%get3A_1119, %get3A_1120] : memref<4x8xi32, #tpu.memory_space<smem>>
    %and3A_1122 = vector.broadcast %get3A_1121 : i32 to vector<1024xi32>
    %and3A_1123 = arith.andi %squeeze3A_1118, %and3A_1122 : vector<1024xi32>
    %shift_right_logical3A_1124 = arith.constant 1 : i32
    %shift_right_logical3A_1125 = vector.broadcast %shift_right_logical3A_1124 : i32 to vector<1024xi32>
    %shift_right_logical3A_1126 = arith.shrui %and3A_1123, %shift_right_logical3A_1125 : vector<1024xi32>
    %and3A_1127 = arith.constant 1431655765 : i32
    %and3A_1128 = vector.broadcast %and3A_1127 : i32 to vector<1024xi32>
    %and3A_1129 = arith.andi %shift_right_logical3A_1126, %and3A_1128 : vector<1024xi32>
    %sub3A_1130 = arith.subi %and3A_1123, %and3A_1129 : vector<1024xi32>
    %and3A_1131 = arith.constant 858993459 : i32
    %and3A_1132 = vector.broadcast %and3A_1131 : i32 to vector<1024xi32>
    %and3A_1133 = arith.andi %sub3A_1130, %and3A_1132 : vector<1024xi32>
    %shift_right_logical3A_1134 = arith.constant 2 : i32
    %shift_right_logical3A_1135 = vector.broadcast %shift_right_logical3A_1134 : i32 to vector<1024xi32>
    %shift_right_logical3A_1136 = arith.shrui %sub3A_1130, %shift_right_logical3A_1135 : vector<1024xi32>
    %and3A_1137 = arith.constant 858993459 : i32
    %and3A_1138 = vector.broadcast %and3A_1137 : i32 to vector<1024xi32>
    %and3A_1139 = arith.andi %shift_right_logical3A_1136, %and3A_1138 : vector<1024xi32>
    %add3A_1140 = arith.addi %and3A_1133, %and3A_1139 : vector<1024xi32>
    %shift_right_logical3A_1141 = arith.constant 4 : i32
    %shift_right_logical3A_1142 = vector.broadcast %shift_right_logical3A_1141 : i32 to vector<1024xi32>
    %shift_right_logical3A_1143 = arith.shrui %add3A_1140, %shift_right_logical3A_1142 : vector<1024xi32>
    %add3A_1144 = arith.addi %add3A_1140, %shift_right_logical3A_1143 : vector<1024xi32>
    %and3A_1145 = arith.constant 252645135 : i32
    %and3A_1146 = vector.broadcast %and3A_1145 : i32 to vector<1024xi32>
    %and3A_1147 = arith.andi %add3A_1144, %and3A_1146 : vector<1024xi32>
    %mul3A_1148 = arith.constant 16843009 : i32
    %mul3A_1149 = vector.broadcast %mul3A_1148 : i32 to vector<1024xi32>
    %mul3A_1150 = arith.muli %and3A_1147, %mul3A_1149 : vector<1024xi32>
    %shift_right_logical3A_1151 = arith.constant 24 : i32
    %shift_right_logical3A_1152 = vector.broadcast %shift_right_logical3A_1151 : i32 to vector<1024xi32>
    %shift_right_logical3A_1153 = arith.shrui %mul3A_1150, %shift_right_logical3A_1152 : vector<1024xi32>
    %add3A_1154 = arith.addi %add3A_1078, %shift_right_logical3A_1153 : vector<1024xi32>
    %slice3A_1155 = vector.extract_strided_slice %get3A_8 {offsets = [3, 0], sizes = [1, 1024], strides = [1, 1]} : vector<8x1024xi32> to vector<1x1024xi32>
    %squeeze3A_1156 = vector.shape_cast %slice3A_1155 : vector<1x1024xi32> to vector<1024xi32>
    %get3A_1157 = arith.constant 3 : index
    %get3A_1158 = arith.constant 3 : index
    %get3A_1159 = memref.load %arg1[%get3A_1157, %get3A_1158] : memref<4x8xi32, #tpu.memory_space<smem>>
    %and3A_1160 = vector.broadcast %get3A_1159 : i32 to vector<1024xi32>
    %and3A_1161 = arith.andi %squeeze3A_1156, %and3A_1160 : vector<1024xi32>
    %shift_right_logical3A_1162 = arith.constant 1 : i32
    %shift_right_logical3A_1163 = vector.broadcast %shift_right_logical3A_1162 : i32 to vector<1024xi32>
    %shift_right_logical3A_1164 = arith.shrui %and3A_1161, %shift_right_logical3A_1163 : vector<1024xi32>
    %and3A_1165 = arith.constant 1431655765 : i32
    %and3A_1166 = vector.broadcast %and3A_1165 : i32 to vector<1024xi32>
    %and3A_1167 = arith.andi %shift_right_logical3A_1164, %and3A_1166 : vector<1024xi32>
    %sub3A_1168 = arith.subi %and3A_1161, %and3A_1167 : vector<1024xi32>
    %and3A_1169 = arith.constant 858993459 : i32
    %and3A_1170 = vector.broadcast %and3A_1169 : i32 to vector<1024xi32>
    %and3A_1171 = arith.andi %sub3A_1168, %and3A_1170 : vector<1024xi32>
    %shift_right_logical3A_1172 = arith.constant 2 : i32
    %shift_right_logical3A_1173 = vector.broadcast %shift_right_logical3A_1172 : i32 to vector<1024xi32>
    %shift_right_logical3A_1174 = arith.shrui %sub3A_1168, %shift_right_logical3A_1173 : vector<1024xi32>
    %and3A_1175 = arith.constant 858993459 : i32
    %and3A_1176 = vector.broadcast %and3A_1175 : i32 to vector<1024xi32>
    %and3A_1177 = arith.andi %shift_right_logical3A_1174, %and3A_1176 : vector<1024xi32>
    %add3A_1178 = arith.addi %and3A_1171, %and3A_1177 : vector<1024xi32>
    %shift_right_logical3A_1179 = arith.constant 4 : i32
    %shift_right_logical3A_1180 = vector.broadcast %shift_right_logical3A_1179 : i32 to vector<1024xi32>
    %shift_right_logical3A_1181 = arith.shrui %add3A_1178, %shift_right_logical3A_1180 : vector<1024xi32>
    %add3A_1182 = arith.addi %add3A_1178, %shift_right_logical3A_1181 : vector<1024xi32>
    %and3A_1183 = arith.constant 252645135 : i32
    %and3A_1184 = vector.broadcast %and3A_1183 : i32 to vector<1024xi32>
    %and3A_1185 = arith.andi %add3A_1182, %and3A_1184 : vector<1024xi32>
    %mul3A_1186 = arith.constant 16843009 : i32
    %mul3A_1187 = vector.broadcast %mul3A_1186 : i32 to vector<1024xi32>
    %mul3A_1188 = arith.muli %and3A_1185, %mul3A_1187 : vector<1024xi32>
    %shift_right_logical3A_1189 = arith.constant 24 : i32
    %shift_right_logical3A_1190 = vector.broadcast %shift_right_logical3A_1189 : i32 to vector<1024xi32>
    %shift_right_logical3A_1191 = arith.shrui %mul3A_1188, %shift_right_logical3A_1190 : vector<1024xi32>
    %add3A_1192 = arith.addi %add3A_1116, %shift_right_logical3A_1191 : vector<1024xi32>
    %slice3A_1193 = vector.extract_strided_slice %get3A_8 {offsets = [7, 0], sizes = [1, 1024], strides = [1, 1]} : vector<8x1024xi32> to vector<1x1024xi32>
    %squeeze3A_1194 = vector.shape_cast %slice3A_1193 : vector<1x1024xi32> to vector<1024xi32>
    %get3A_1195 = arith.constant 3 : index
    %get3A_1196 = arith.constant 7 : index
    %get3A_1197 = memref.load %arg1[%get3A_1195, %get3A_1196] : memref<4x8xi32, #tpu.memory_space<smem>>
    %and3A_1198 = vector.broadcast %get3A_1197 : i32 to vector<1024xi32>
    %and3A_1199 = arith.andi %squeeze3A_1194, %and3A_1198 : vector<1024xi32>
    %shift_right_logical3A_1200 = arith.constant 1 : i32
    %shift_right_logical3A_1201 = vector.broadcast %shift_right_logical3A_1200 : i32 to vector<1024xi32>
    %shift_right_logical3A_1202 = arith.shrui %and3A_1199, %shift_right_logical3A_1201 : vector<1024xi32>
    %and3A_1203 = arith.constant 1431655765 : i32
    %and3A_1204 = vector.broadcast %and3A_1203 : i32 to vector<1024xi32>
    %and3A_1205 = arith.andi %shift_right_logical3A_1202, %and3A_1204 : vector<1024xi32>
    %sub3A_1206 = arith.subi %and3A_1199, %and3A_1205 : vector<1024xi32>
    %and3A_1207 = arith.constant 858993459 : i32
    %and3A_1208 = vector.broadcast %and3A_1207 : i32 to vector<1024xi32>
    %and3A_1209 = arith.andi %sub3A_1206, %and3A_1208 : vector<1024xi32>
    %shift_right_logical3A_1210 = arith.constant 2 : i32
    %shift_right_logical3A_1211 = vector.broadcast %shift_right_logical3A_1210 : i32 to vector<1024xi32>
    %shift_right_logical3A_1212 = arith.shrui %sub3A_1206, %shift_right_logical3A_1211 : vector<1024xi32>
    %and3A_1213 = arith.constant 858993459 : i32
    %and3A_1214 = vector.broadcast %and3A_1213 : i32 to vector<1024xi32>
    %and3A_1215 = arith.andi %shift_right_logical3A_1212, %and3A_1214 : vector<1024xi32>
    %add3A_1216 = arith.addi %and3A_1209, %and3A_1215 : vector<1024xi32>
    %shift_right_logical3A_1217 = arith.constant 4 : i32
    %shift_right_logical3A_1218 = vector.broadcast %shift_right_logical3A_1217 : i32 to vector<1024xi32>
    %shift_right_logical3A_1219 = arith.shrui %add3A_1216, %shift_right_logical3A_1218 : vector<1024xi32>
    %add3A_1220 = arith.addi %add3A_1216, %shift_right_logical3A_1219 : vector<1024xi32>
    %and3A_1221 = arith.constant 252645135 : i32
    %and3A_1222 = vector.broadcast %and3A_1221 : i32 to vector<1024xi32>
    %and3A_1223 = arith.andi %add3A_1220, %and3A_1222 : vector<1024xi32>
    %mul3A_1224 = arith.constant 16843009 : i32
    %mul3A_1225 = vector.broadcast %mul3A_1224 : i32 to vector<1024xi32>
    %mul3A_1226 = arith.muli %and3A_1223, %mul3A_1225 : vector<1024xi32>
    %shift_right_logical3A_1227 = arith.constant 24 : i32
    %shift_right_logical3A_1228 = vector.broadcast %shift_right_logical3A_1227 : i32 to vector<1024xi32>
    %shift_right_logical3A_1229 = arith.shrui %mul3A_1226, %shift_right_logical3A_1228 : vector<1024xi32>
    %add3A_1230 = arith.addi %add3A_1154, %shift_right_logical3A_1229 : vector<1024xi32>
    %convert_element_type3A_1231 = arith.sitofp %add3A_1192 : vector<1024xi32> to vector<1024xf32>
    %convert_element_type3A_1232 = arith.sitofp %add3A_1230 : vector<1024xi32> to vector<1024xf32>
    %div3A_1233 = arith.divf %convert_element_type3A_1231, %convert_element_type3A_1232 : vector<1024xf32>
    %reshape3A_1234 = vector.shape_cast %div3A_1233 : vector<1024xf32> to vector<1x1024xf32>
    %sub3A_1235 = arith.constant 6.400000e+01 : f32
    %sub3A_1236 = vector.broadcast %sub3A_1235 : f32 to vector<1x1024xf32>
    %sub3A_1237 = arith.subf %reshape3A_1234, %sub3A_1236 : vector<1x1024xf32>
    %exp3A_1238 = math.exp %sub3A_1237 : vector<1x1024xf32>
    %iota3A = tpu.iota {dimensions = array<i32: 0>} : vector<32x1024xi32>
    %jit3A = arith.constant 8 : i32
    %div3A_1239 = vector.broadcast %jit3A : i32 to vector<32x1024xi32>
    %div3A_1240 = arith.divsi %iota3A, %div3A_1239 : vector<32x1024xi32>
    %sign3A = arith.constant 0 : i32
    %sign3A_1241 = vector.broadcast %sign3A : i32 to vector<32x1024xi32>
    %sign3A_1242 = arith.cmpi sgt, %iota3A, %sign3A_1241 : vector<32x1024xi32>
    %sign3A_1243 = arith.extui %sign3A_1242 : vector<32x1024xi1> to vector<32x1024xi32>
    %sign3A_1244 = arith.constant 0 : i32
    %sign3A_1245 = vector.broadcast %sign3A_1244 : i32 to vector<32x1024xi32>
    %sign3A_1246 = arith.cmpi slt, %iota3A, %sign3A_1245 : vector<32x1024xi32>
    %sign3A_1247 = arith.extui %sign3A_1246 : vector<32x1024xi1> to vector<32x1024xi32>
    %sign3A_1248 = arith.subi %sign3A_1243, %sign3A_1247 : vector<32x1024xi32>
    %sign3A_1249 = arith.constant 0 : i32
    %sign3A_1250 = arith.cmpi sgt, %jit3A, %sign3A_1249 : i32
    %sign3A_1251 = arith.extui %sign3A_1250 : i1 to i32
    %sign3A_1252 = arith.constant 0 : i32
    %sign3A_1253 = arith.cmpi slt, %jit3A, %sign3A_1252 : i32
    %sign3A_1254 = arith.extui %sign3A_1253 : i1 to i32
    %sign3A_1255 = arith.subi %sign3A_1251, %sign3A_1254 : i32
    %ne3A = vector.broadcast %sign3A_1255 : i32 to vector<32x1024xi32>
    %ne3A_1256 = arith.cmpi ne, %sign3A_1248, %ne3A : vector<32x1024xi32>
    %rem3A = vector.broadcast %jit3A : i32 to vector<32x1024xi32>
    %rem3A_1257 = arith.remsi %iota3A, %rem3A : vector<32x1024xi32>
    %ne3A_1258 = arith.constant 0 : i32
    %ne3A_1259 = vector.broadcast %ne3A_1258 : i32 to vector<32x1024xi32>
    %ne3A_1260 = arith.cmpi ne, %rem3A_1257, %ne3A_1259 : vector<32x1024xi32>
    %and3A_1261 = arith.andi %ne3A_1256, %ne3A_1260 : vector<32x1024xi1>
    %sub3A_1262 = arith.constant 1 : i32
    %sub3A_1263 = vector.broadcast %sub3A_1262 : i32 to vector<32x1024xi32>
    %sub3A_1264 = arith.subi %div3A_1240, %sub3A_1263 : vector<32x1024xi32>
    %select_n3A = arith.select %and3A_1261, %sub3A_1264, %div3A_1240 : vector<32x1024xi1>, vector<32x1024xi32>
    %mul3A_1265 = arith.constant 8 : i32
    %mul3A_1266 = vector.broadcast %mul3A_1265 : i32 to vector<32x1024xi32>
    %mul3A_1267 = arith.muli %mul3A_1266, %select_n3A : vector<32x1024xi32>
    %add3A_1268 = arith.constant 7 : i32
    %add3A_1269 = vector.broadcast %add3A_1268 : i32 to vector<32x1024xi32>
    %add3A_1270 = arith.addi %mul3A_1267, %add3A_1269 : vector<32x1024xi32>
    %jit3A_1271 = arith.constant 8 : i32
    %eq3A_1272 = arith.constant 0 : i32
    %eq3A_1273 = arith.cmpi eq, %jit3A_1271, %eq3A_1272 : i32
    %jit3A_1274 = arith.constant 1 : i32
    %select_n3A_1275 = arith.select %eq3A_1273, %jit3A_1274, %jit3A_1271 : i32
    %rem3A_1276 = vector.broadcast %select_n3A_1275 : i32 to vector<32x1024xi32>
    %rem3A_1277 = arith.remsi %iota3A, %rem3A_1276 : vector<32x1024xi32>
    %ne3A_1278 = arith.constant 0 : i32
    %ne3A_1279 = vector.broadcast %ne3A_1278 : i32 to vector<32x1024xi32>
    %ne3A_1280 = arith.cmpi ne, %rem3A_1277, %ne3A_1279 : vector<32x1024xi32>
    %lt3A = arith.constant 0 : i32
    %lt3A_1281 = vector.broadcast %lt3A : i32 to vector<32x1024xi32>
    %lt3A_1282 = arith.cmpi slt, %rem3A_1277, %lt3A_1281 : vector<32x1024xi32>
    %lt3A_1283 = arith.constant 0 : i32
    %lt3A_1284 = arith.cmpi slt, %select_n3A_1275, %lt3A_1283 : i32
    %ne3A_1285 = vector.broadcast %lt3A_1284 : i1 to vector<32x1024xi1>
    %ne3A_1286 = vector.broadcast %ne3A_1285 : vector<32x1024xi1> to vector<32x1024xi1>
    %ne3A_1287 = arith.xori %lt3A_1282, %ne3A_1286 : vector<32x1024xi1>
    %and3A_1288 = arith.andi %ne3A_1287, %ne3A_1280 : vector<32x1024xi1>
    %add3A_1289 = vector.broadcast %select_n3A_1275 : i32 to vector<32x1024xi32>
    %add3A_1290 = arith.addi %rem3A_1277, %add3A_1289 : vector<32x1024xi32>
    %select_n3A_1291 = arith.select %and3A_1288, %add3A_1290, %rem3A_1277 : vector<32x1024xi1>, vector<32x1024xi32>
    %sub3A_1292 = arith.subi %add3A_1270, %select_n3A_1291 : vector<32x1024xi32>
    %slice3A_1293 = vector.extract_strided_slice %get3A_8 {offsets = [0, 0], sizes = [1, 1024], strides = [1, 1]} : vector<8x1024xi32> to vector<1x1024xi32>
    %squeeze3A_1294 = vector.shape_cast %slice3A_1293 : vector<1x1024xi32> to vector<1024xi32>
    %reshape3A_1295 = vector.shape_cast %squeeze3A_1294 : vector<1024xi32> to vector<1x1024xi32>
    %shift_right_logical3A_1296 = vector.broadcast %reshape3A_1295 : vector<1x1024xi32> to vector<32x1024xi32>
    %shift_right_logical3A_1297 = arith.shrui %shift_right_logical3A_1296, %sub3A_1292 : vector<32x1024xi32>
    %and3A_1298 = arith.constant 1 : i32
    %and3A_1299 = vector.broadcast %and3A_1298 : i32 to vector<32x1024xi32>
    %and3A_1300 = arith.andi %shift_right_logical3A_1297, %and3A_1299 : vector<32x1024xi32>
    %slice3A_1301 = vector.extract_strided_slice %get3A_8 {offsets = [1, 0], sizes = [1, 1024], strides = [1, 1]} : vector<8x1024xi32> to vector<1x1024xi32>
    %squeeze3A_1302 = vector.shape_cast %slice3A_1301 : vector<1x1024xi32> to vector<1024xi32>
    %reshape3A_1303 = vector.shape_cast %squeeze3A_1302 : vector<1024xi32> to vector<1x1024xi32>
    %shift_right_logical3A_1304 = vector.broadcast %reshape3A_1303 : vector<1x1024xi32> to vector<32x1024xi32>
    %shift_right_logical3A_1305 = arith.shrui %shift_right_logical3A_1304, %sub3A_1292 : vector<32x1024xi32>
    %and3A_1306 = arith.constant 1 : i32
    %and3A_1307 = vector.broadcast %and3A_1306 : i32 to vector<32x1024xi32>
    %and3A_1308 = arith.andi %shift_right_logical3A_1305, %and3A_1307 : vector<32x1024xi32>
    %slice3A_1309 = vector.extract_strided_slice %get3A_8 {offsets = [2, 0], sizes = [1, 1024], strides = [1, 1]} : vector<8x1024xi32> to vector<1x1024xi32>
    %squeeze3A_1310 = vector.shape_cast %slice3A_1309 : vector<1x1024xi32> to vector<1024xi32>
    %reshape3A_1311 = vector.shape_cast %squeeze3A_1310 : vector<1024xi32> to vector<1x1024xi32>
    %shift_right_logical3A_1312 = vector.broadcast %reshape3A_1311 : vector<1x1024xi32> to vector<32x1024xi32>
    %shift_right_logical3A_1313 = arith.shrui %shift_right_logical3A_1312, %sub3A_1292 : vector<32x1024xi32>
    %and3A_1314 = arith.constant 1 : i32
    %and3A_1315 = vector.broadcast %and3A_1314 : i32 to vector<32x1024xi32>
    %and3A_1316 = arith.andi %shift_right_logical3A_1313, %and3A_1315 : vector<32x1024xi32>
    %slice3A_1317 = vector.extract_strided_slice %get3A_8 {offsets = [3, 0], sizes = [1, 1024], strides = [1, 1]} : vector<8x1024xi32> to vector<1x1024xi32>
    %squeeze3A_1318 = vector.shape_cast %slice3A_1317 : vector<1x1024xi32> to vector<1024xi32>
    %reshape3A_1319 = vector.shape_cast %squeeze3A_1318 : vector<1024xi32> to vector<1x1024xi32>
    %shift_right_logical3A_1320 = vector.broadcast %reshape3A_1319 : vector<1x1024xi32> to vector<32x1024xi32>
    %shift_right_logical3A_1321 = arith.shrui %shift_right_logical3A_1320, %sub3A_1292 : vector<32x1024xi32>
    %and3A_1322 = arith.constant 1 : i32
    %and3A_1323 = vector.broadcast %and3A_1322 : i32 to vector<32x1024xi32>
    %and3A_1324 = arith.andi %shift_right_logical3A_1321, %and3A_1323 : vector<32x1024xi32>
    %concatenate3A = tpu.concatenate %and3A_1300, %and3A_1308, %and3A_1316, %and3A_1324 in 0 : vector<32x1024xi32>, vector<32x1024xi32>, vector<32x1024xi32>, vector<32x1024xi32> -> vector<128x1024xi32>
    %convert_element_type3A_1325 = arith.sitofp %concatenate3A : vector<128x1024xi32> to vector<128x1024xf32>
    %reshape3A_1326 = vector.shape_cast %get3A_5 : vector<1024xi32> to vector<1x1024xi32>
    %reduce_min3A = vector.shape_cast %get3A_5 : vector<1024xi32> to vector<1x1024xi32>
    %reduce_min3A_1327 = arith.constant dense<2147483647> : vector<1xi32>
    %reduce_min3A_1328 = vector.multi_reduction <minsi>, %reduce_min3A, %reduce_min3A_1327 [1] : vector<1x1024xi32> to vector<1xi32>
    %reduce_min3A_1329 = vector.shape_cast %reduce_min3A_1328 : vector<1xi32> to vector<1x1xi32>
    %reduce_min3A_1330 = vector.extract %reduce_min3A_1329[0, 0] : i32 from vector<1x1xi32>
    %reduce_max3A = vector.shape_cast %get3A_5 : vector<1024xi32> to vector<1x1024xi32>
    %reduce_max3A_1331 = arith.constant dense<-2147483648> : vector<1xi32>
    %reduce_max3A_1332 = vector.multi_reduction <maxsi>, %reduce_max3A, %reduce_max3A_1331 [1] : vector<1x1024xi32> to vector<1xi32>
    %reduce_max3A_1333 = vector.shape_cast %reduce_max3A_1332 : vector<1xi32> to vector<1x1xi32>
    %reduce_max3A_1334 = vector.extract %reduce_max3A_1333[0, 0] : i32 from vector<1x1xi32>
    %jit3A_1335 = arith.constant 128 : i32
    %div3A_1336 = arith.divsi %reduce_min3A_1330, %jit3A_1335 : i32
    %sign3A_1337 = arith.constant 0 : i32
    %sign3A_1338 = arith.cmpi sgt, %reduce_min3A_1330, %sign3A_1337 : i32
    %sign3A_1339 = arith.extui %sign3A_1338 : i1 to i32
    %sign3A_1340 = arith.constant 0 : i32
    %sign3A_1341 = arith.cmpi slt, %reduce_min3A_1330, %sign3A_1340 : i32
    %sign3A_1342 = arith.extui %sign3A_1341 : i1 to i32
    %sign3A_1343 = arith.subi %sign3A_1339, %sign3A_1342 : i32
    %sign3A_1344 = arith.constant 0 : i32
    %sign3A_1345 = arith.cmpi sgt, %jit3A_1335, %sign3A_1344 : i32
    %sign3A_1346 = arith.extui %sign3A_1345 : i1 to i32
    %sign3A_1347 = arith.constant 0 : i32
    %sign3A_1348 = arith.cmpi slt, %jit3A_1335, %sign3A_1347 : i32
    %sign3A_1349 = arith.extui %sign3A_1348 : i1 to i32
    %sign3A_1350 = arith.subi %sign3A_1346, %sign3A_1349 : i32
    %ne3A_1351 = arith.cmpi ne, %sign3A_1343, %sign3A_1350 : i32
    %rem3A_1352 = arith.remsi %reduce_min3A_1330, %jit3A_1335 : i32
    %ne3A_1353 = arith.constant 0 : i32
    %ne3A_1354 = arith.cmpi ne, %rem3A_1352, %ne3A_1353 : i32
    %and3A_1355 = arith.andi %ne3A_1351, %ne3A_1354 : i1
    %sub3A_1356 = arith.constant 1 : i32
    %sub3A_1357 = arith.subi %div3A_1336, %sub3A_1356 : i32
    %select_n3A_1358 = arith.select %and3A_1355, %sub3A_1357, %div3A_1336 : i32
    %jit3A_1359 = arith.constant 128 : i32
    %div3A_1360 = arith.divsi %reduce_max3A_1334, %jit3A_1359 : i32
    %sign3A_1361 = arith.constant 0 : i32
    %sign3A_1362 = arith.cmpi sgt, %reduce_max3A_1334, %sign3A_1361 : i32
    %sign3A_1363 = arith.extui %sign3A_1362 : i1 to i32
    %sign3A_1364 = arith.constant 0 : i32
    %sign3A_1365 = arith.cmpi slt, %reduce_max3A_1334, %sign3A_1364 : i32
    %sign3A_1366 = arith.extui %sign3A_1365 : i1 to i32
    %sign3A_1367 = arith.subi %sign3A_1363, %sign3A_1366 : i32
    %sign3A_1368 = arith.constant 0 : i32
    %sign3A_1369 = arith.cmpi sgt, %jit3A_1359, %sign3A_1368 : i32
    %sign3A_1370 = arith.extui %sign3A_1369 : i1 to i32
    %sign3A_1371 = arith.constant 0 : i32
    %sign3A_1372 = arith.cmpi slt, %jit3A_1359, %sign3A_1371 : i32
    %sign3A_1373 = arith.extui %sign3A_1372 : i1 to i32
    %sign3A_1374 = arith.subi %sign3A_1370, %sign3A_1373 : i32
    %ne3A_1375 = arith.cmpi ne, %sign3A_1367, %sign3A_1374 : i32
    %rem3A_1376 = arith.remsi %reduce_max3A_1334, %jit3A_1359 : i32
    %ne3A_1377 = arith.constant 0 : i32
    %ne3A_1378 = arith.cmpi ne, %rem3A_1376, %ne3A_1377 : i32
    %and3A_1379 = arith.andi %ne3A_1375, %ne3A_1378 : i1
    %sub3A_1380 = arith.constant 1 : i32
    %sub3A_1381 = arith.subi %div3A_1360, %sub3A_1380 : i32
    %select_n3A_1382 = arith.select %and3A_1379, %sub3A_1381, %div3A_1360 : i32
    %sub3A_1383 = arith.subi %select_n3A_1382, %select_n3A_1358 : i32
    %add3A_1384 = arith.constant 1 : i32
    %add3A_1385 = arith.addi %sub3A_1383, %add3A_1384 : i32
    %while3A = arith.constant 0 : i32
    %while3A_1386 = arith.constant 0 : i32
    %while3A_1387 = arith.subi %add3A_1385, %while3A_1386 : i32
    %while3A_1388 = arith.addi %while3A_1386, %while3A_1387 : i32
    %while3A_1389 = arith.constant 1 : i32
    %while3A_1390 = arith.divsi %while3A_1387, %while3A_1389 : i32
    %while3A_1391 = arith.muli %while3A_1390, %while3A_1389 : i32
    %while3A_1392 = arith.addi %while3A_1386, %while3A_1391 : i32
    %while3A_1393 = arith.constant 1 : i32
    scf.for %while3A_1400 = %while3A_1386 to %while3A_1392 step %while3A_1393  : i32 {
      %add3A_1401 = arith.addi %select_n3A_1358, %while3A_1400 : i32
      %mul3A_1402 = arith.constant 128 : i32
      %mul3A_1403 = arith.muli %add3A_1401, %mul3A_1402 : i32
      %iota3A_1404 = tpu.iota {dimensions = array<i32: 0>} : vector<128x1024xi32>
      %add3A_1405 = vector.broadcast %mul3A_1403 : i32 to vector<128x1024xi32>
      %add3A_1406 = arith.addi %add3A_1405, %iota3A_1404 : vector<128x1024xi32>
      %eq3A_1407 = vector.broadcast %reshape3A_1326 : vector<1x1024xi32> to vector<128x1024xi32>
      %eq3A_1408 = arith.cmpi eq, %add3A_1406, %eq3A_1407 : vector<128x1024xi32>
      %convert_element_type3A_1409 = arith.extui %eq3A_1408 : vector<128x1024xi1> to vector<128x1024xi32>
      %convert_element_type3A_1410 = arith.sitofp %convert_element_type3A_1409 : vector<128x1024xi32> to vector<128x1024xf32>
      %mul3A_1411 = vector.broadcast %exp3A : vector<1x1024xf32> to vector<128x1024xf32>
      %mul3A_1412 = arith.mulf %convert_element_type3A_1410, %mul3A_1411 : vector<128x1024xf32>
      %get3A_1413 = arith.index_cast %mul3A_1403 : i32 to index
      %get3A_1414 = arith.constant 0 : index
      %get3A_1415 = vector.load %arg5[%get3A_1413, %get3A_1414] : memref<10240x8xf32, #tpu.memory_space<vmem>>, vector<128x1xf32>
      %reduce_sum3A = arith.constant dense<0.000000e+00> : vector<128xf32>
      %reduce_sum3A_1416 = vector.multi_reduction <add>, %mul3A_1412, %reduce_sum3A [1] : vector<128x1024xf32> to vector<128xf32>
      %broadcast_in_dim3A = vector.shape_cast %reduce_sum3A_1416 : vector<128xf32> to vector<128x1xf32>
      %add3A_1417 = arith.addf %get3A_1415, %broadcast_in_dim3A : vector<128x1xf32>
      %swap3A = arith.index_cast %mul3A_1403 : i32 to index
      %swap3A_1418 = arith.constant 0 : index
      %swap3A_1419 = vector.load %arg5[%swap3A, %swap3A_1418] : memref<10240x8xf32, #tpu.memory_space<vmem>>, vector<128x1xf32>
      tpu.vector_store %arg5[%swap3A, %swap3A_1418], %add3A_1417 {strides = array<i32>} : memref<10240x8xf32, #tpu.memory_space<vmem>>, vector<128x1xf32>,
      %mul3A_1420 = vector.broadcast %exp3A_618 : vector<1x1024xf32> to vector<128x1024xf32>
      %mul3A_1421 = arith.mulf %convert_element_type3A_1410, %mul3A_1420 : vector<128x1024xf32>
      %get3A_1422 = arith.index_cast %mul3A_1403 : i32 to index
      %get3A_1423 = arith.constant 1 : index
      %get3A_1424 = vector.load %arg5[%get3A_1422, %get3A_1423] : memref<10240x8xf32, #tpu.memory_space<vmem>>, vector<128x1xf32>
      %reduce_sum3A_1425 = arith.constant dense<0.000000e+00> : vector<128xf32>
      %reduce_sum3A_1426 = vector.multi_reduction <add>, %mul3A_1421, %reduce_sum3A_1425 [1] : vector<128x1024xf32> to vector<128xf32>
      %broadcast_in_dim3A_1427 = vector.shape_cast %reduce_sum3A_1426 : vector<128xf32> to vector<128x1xf32>
      %add3A_1428 = arith.addf %get3A_1424, %broadcast_in_dim3A_1427 : vector<128x1xf32>
      %swap3A_1429 = arith.index_cast %mul3A_1403 : i32 to index
      %swap3A_1430 = arith.constant 1 : index
      %swap3A_1431 = vector.load %arg5[%swap3A_1429, %swap3A_1430] : memref<10240x8xf32, #tpu.memory_space<vmem>>, vector<128x1xf32>
      tpu.vector_store %arg5[%swap3A_1429, %swap3A_1430], %add3A_1428 {strides = array<i32>} : memref<10240x8xf32, #tpu.memory_space<vmem>>, vector<128x1xf32>,
      %mul3A_1432 = vector.broadcast %exp3A_928 : vector<1x1024xf32> to vector<128x1024xf32>
      %mul3A_1433 = arith.mulf %convert_element_type3A_1410, %mul3A_1432 : vector<128x1024xf32>
      %get3A_1434 = arith.index_cast %mul3A_1403 : i32 to index
      %get3A_1435 = arith.constant 2 : index
      %get3A_1436 = vector.load %arg5[%get3A_1434, %get3A_1435] : memref<10240x8xf32, #tpu.memory_space<vmem>>, vector<128x1xf32>
      %reduce_sum3A_1437 = arith.constant dense<0.000000e+00> : vector<128xf32>
      %reduce_sum3A_1438 = vector.multi_reduction <add>, %mul3A_1433, %reduce_sum3A_1437 [1] : vector<128x1024xf32> to vector<128xf32>
      %broadcast_in_dim3A_1439 = vector.shape_cast %reduce_sum3A_1438 : vector<128xf32> to vector<128x1xf32>
      %add3A_1440 = arith.addf %get3A_1436, %broadcast_in_dim3A_1439 : vector<128x1xf32>
      %swap3A_1441 = arith.index_cast %mul3A_1403 : i32 to index
      %swap3A_1442 = arith.constant 2 : index
      %swap3A_1443 = vector.load %arg5[%swap3A_1441, %swap3A_1442] : memref<10240x8xf32, #tpu.memory_space<vmem>>, vector<128x1xf32>
      tpu.vector_store %arg5[%swap3A_1441, %swap3A_1442], %add3A_1440 {strides = array<i32>} : memref<10240x8xf32, #tpu.memory_space<vmem>>, vector<128x1xf32>,
      %mul3A_1444 = vector.broadcast %exp3A_1238 : vector<1x1024xf32> to vector<128x1024xf32>
      %mul3A_1445 = arith.mulf %convert_element_type3A_1410, %mul3A_1444 : vector<128x1024xf32>
      %get3A_1446 = arith.index_cast %mul3A_1403 : i32 to index
      %get3A_1447 = arith.constant 3 : index
      %get3A_1448 = vector.load %arg5[%get3A_1446, %get3A_1447] : memref<10240x8xf32, #tpu.memory_space<vmem>>, vector<128x1xf32>
      %reduce_sum3A_1449 = arith.constant dense<0.000000e+00> : vector<128xf32>
      %reduce_sum3A_1450 = vector.multi_reduction <add>, %mul3A_1445, %reduce_sum3A_1449 [1] : vector<128x1024xf32> to vector<128xf32>
      %broadcast_in_dim3A_1451 = vector.shape_cast %reduce_sum3A_1450 : vector<128xf32> to vector<128x1xf32>
      %add3A_1452 = arith.addf %get3A_1448, %broadcast_in_dim3A_1451 : vector<128x1xf32>
      %swap3A_1453 = arith.index_cast %mul3A_1403 : i32 to index
      %swap3A_1454 = arith.constant 3 : index
      %swap3A_1455 = vector.load %arg5[%swap3A_1453, %swap3A_1454] : memref<10240x8xf32, #tpu.memory_space<vmem>>, vector<128x1xf32>
      tpu.vector_store %arg5[%swap3A_1453, %swap3A_1454], %add3A_1452 {strides = array<i32>} : memref<10240x8xf32, #tpu.memory_space<vmem>>, vector<128x1xf32>,
      %concatenate3A_1456 = tpu.concatenate %mul3A_1412, %mul3A_1421, %mul3A_1433, %mul3A_1445 in 0 : vector<128x1024xf32>, vector<128x1024xf32>, vector<128x1024xf32>, vector<128x1024xf32> -> vector<512x1024xf32>
      %dot_general3A = arith.constant dense<0.000000e+00> : vector<512x128xf32>
      %dot_general3A_1457 = tpu.matmul %concatenate3A_1456, %convert_element_type3A_1325, %dot_general3A {dimension_numbers = #tpu.dot_dimension_numbers<[1], [1], [0], [0], [0, 0, 1, 0], [], []>, transpose_lhs_hint = false} : vector<512x1024xf32>, vector<128x1024xf32>, vector<512x128xf32> -> vector<512x128xf32>
      %get3A_1458 = arith.constant 0 : index
      %get3A_1459 = arith.index_cast %mul3A_1403 : i32 to index
      %get3A_1460 = arith.constant 0 : index
      %get3A_1461 = vector.load %arg4[%get3A_1458, %get3A_1459, %get3A_1460] : memref<4x10240x128xf32, #tpu.memory_space<vmem>>, vector<1x128x128xf32>
      %get3A_1462 = vector.shape_cast %get3A_1461 : vector<1x128x128xf32> to vector<128x128xf32>
      %slice3A_1463 = vector.extract_strided_slice %dot_general3A_1457 {offsets = [0, 0], sizes = [128, 128], strides = [1, 1]} : vector<512x128xf32> to vector<128x128xf32>
      %add3A_1464 = arith.addf %get3A_1462, %slice3A_1463 : vector<128x128xf32>
      %swap3A_1465 = arith.constant 0 : index
      %swap3A_1466 = arith.index_cast %mul3A_1403 : i32 to index
      %swap3A_1467 = arith.constant 0 : index
      %swap3A_1468 = vector.load %arg4[%swap3A_1465, %swap3A_1466, %swap3A_1467] : memref<4x10240x128xf32, #tpu.memory_space<vmem>>, vector<1x128x128xf32>
      %swap3A_1469 = vector.shape_cast %swap3A_1468 : vector<1x128x128xf32> to vector<128x128xf32>
      %swap3A_1470 = vector.shape_cast %add3A_1464 : vector<128x128xf32> to vector<1x128x128xf32>
      tpu.vector_store %arg4[%swap3A_1465, %swap3A_1466, %swap3A_1467], %swap3A_1470 {strides = array<i32>} : memref<4x10240x128xf32, #tpu.memory_space<vmem>>, vector<1x128x128xf32>,
      %get3A_1471 = arith.constant 1 : index
      %get3A_1472 = arith.index_cast %mul3A_1403 : i32 to index
      %get3A_1473 = arith.constant 0 : index
      %get3A_1474 = vector.load %arg4[%get3A_1471, %get3A_1472, %get3A_1473] : memref<4x10240x128xf32, #tpu.memory_space<vmem>>, vector<1x128x128xf32>
      %get3A_1475 = vector.shape_cast %get3A_1474 : vector<1x128x128xf32> to vector<128x128xf32>
      %slice3A_1476 = vector.extract_strided_slice %dot_general3A_1457 {offsets = [128, 0], sizes = [128, 128], strides = [1, 1]} : vector<512x128xf32> to vector<128x128xf32>
      %add3A_1477 = arith.addf %get3A_1475, %slice3A_1476 : vector<128x128xf32>
      %swap3A_1478 = arith.constant 1 : index
      %swap3A_1479 = arith.index_cast %mul3A_1403 : i32 to index
      %swap3A_1480 = arith.constant 0 : index
      %swap3A_1481 = vector.load %arg4[%swap3A_1478, %swap3A_1479, %swap3A_1480] : memref<4x10240x128xf32, #tpu.memory_space<vmem>>, vector<1x128x128xf32>
      %swap3A_1482 = vector.shape_cast %swap3A_1481 : vector<1x128x128xf32> to vector<128x128xf32>
      %swap3A_1483 = vector.shape_cast %add3A_1477 : vector<128x128xf32> to vector<1x128x128xf32>
      tpu.vector_store %arg4[%swap3A_1478, %swap3A_1479, %swap3A_1480], %swap3A_1483 {strides = array<i32>} : memref<4x10240x128xf32, #tpu.memory_space<vmem>>, vector<1x128x128xf32>,
      %get3A_1484 = arith.constant 2 : index
      %get3A_1485 = arith.index_cast %mul3A_1403 : i32 to index
      %get3A_1486 = arith.constant 0 : index
      %get3A_1487 = vector.load %arg4[%get3A_1484, %get3A_1485, %get3A_1486] : memref<4x10240x128xf32, #tpu.memory_space<vmem>>, vector<1x128x128xf32>
      %get3A_1488 = vector.shape_cast %get3A_1487 : vector<1x128x128xf32> to vector<128x128xf32>
      %slice3A_1489 = vector.extract_strided_slice %dot_general3A_1457 {offsets = [256, 0], sizes = [128, 128], strides = [1, 1]} : vector<512x128xf32> to vector<128x128xf32>
      %add3A_1490 = arith.addf %get3A_1488, %slice3A_1489 : vector<128x128xf32>
      %swap3A_1491 = arith.constant 2 : index
      %swap3A_1492 = arith.index_cast %mul3A_1403 : i32 to index
      %swap3A_1493 = arith.constant 0 : index
      %swap3A_1494 = vector.load %arg4[%swap3A_1491, %swap3A_1492, %swap3A_1493] : memref<4x10240x128xf32, #tpu.memory_space<vmem>>, vector<1x128x128xf32>
      %swap3A_1495 = vector.shape_cast %swap3A_1494 : vector<1x128x128xf32> to vector<128x128xf32>
      %swap3A_1496 = vector.shape_cast %add3A_1490 : vector<128x128xf32> to vector<1x128x128xf32>
      tpu.vector_store %arg4[%swap3A_1491, %swap3A_1492, %swap3A_1493], %swap3A_1496 {strides = array<i32>} : memref<4x10240x128xf32, #tpu.memory_space<vmem>>, vector<1x128x128xf32>,
      %get3A_1497 = arith.constant 3 : index
      %get3A_1498 = arith.index_cast %mul3A_1403 : i32 to index
      %get3A_1499 = arith.constant 0 : index
      %get3A_1500 = vector.load %arg4[%get3A_1497, %get3A_1498, %get3A_1499] : memref<4x10240x128xf32, #tpu.memory_space<vmem>>, vector<1x128x128xf32>
      %get3A_1501 = vector.shape_cast %get3A_1500 : vector<1x128x128xf32> to vector<128x128xf32>
      %slice3A_1502 = vector.extract_strided_slice %dot_general3A_1457 {offsets = [384, 0], sizes = [128, 128], strides = [1, 1]} : vector<512x128xf32> to vector<128x128xf32>
      %add3A_1503 = arith.addf %get3A_1501, %slice3A_1502 : vector<128x128xf32>
      %swap3A_1504 = arith.constant 3 : index
      %swap3A_1505 = arith.index_cast %mul3A_1403 : i32 to index
      %swap3A_1506 = arith.constant 0 : index
      %swap3A_1507 = vector.load %arg4[%swap3A_1504, %swap3A_1505, %swap3A_1506] : memref<4x10240x128xf32, #tpu.memory_space<vmem>>, vector<1x128x128xf32>
      %swap3A_1508 = vector.shape_cast %swap3A_1507 : vector<1x128x128xf32> to vector<128x128xf32>
      %swap3A_1509 = vector.shape_cast %add3A_1503 : vector<128x128xf32> to vector<1x128x128xf32>
      tpu.vector_store %arg4[%swap3A_1504, %swap3A_1505, %swap3A_1506], %swap3A_1509 {strides = array<i32>} : memref<4x10240x128xf32, #tpu.memory_space<vmem>>, vector<1x128x128xf32>,
    }
    %while3A_1394 = arith.constant 1 : i32
    scf.for %while3A_1400 = %while3A_1392 to %while3A_1388 step %while3A_1394  : i32 {
      %add3A_1401 = arith.addi %select_n3A_1358, %while3A_1400 : i32
      %mul3A_1402 = arith.constant 128 : i32
      %mul3A_1403 = arith.muli %add3A_1401, %mul3A_1402 : i32
      %iota3A_1404 = tpu.iota {dimensions = array<i32: 0>} : vector<128x1024xi32>
      %add3A_1405 = vector.broadcast %mul3A_1403 : i32 to vector<128x1024xi32>
      %add3A_1406 = arith.addi %add3A_1405, %iota3A_1404 : vector<128x1024xi32>
      %eq3A_1407 = vector.broadcast %reshape3A_1326 : vector<1x1024xi32> to vector<128x1024xi32>
      %eq3A_1408 = arith.cmpi eq, %add3A_1406, %eq3A_1407 : vector<128x1024xi32>
      %convert_element_type3A_1409 = arith.extui %eq3A_1408 : vector<128x1024xi1> to vector<128x1024xi32>
      %convert_element_type3A_1410 = arith.sitofp %convert_element_type3A_1409 : vector<128x1024xi32> to vector<128x1024xf32>
      %mul3A_1411 = vector.broadcast %exp3A : vector<1x1024xf32> to vector<128x1024xf32>
      %mul3A_1412 = arith.mulf %convert_element_type3A_1410, %mul3A_1411 : vector<128x1024xf32>
      %get3A_1413 = arith.index_cast %mul3A_1403 : i32 to index
      %get3A_1414 = arith.constant 0 : index
      %get3A_1415 = vector.load %arg5[%get3A_1413, %get3A_1414] : memref<10240x8xf32, #tpu.memory_space<vmem>>, vector<128x1xf32>
      %reduce_sum3A = arith.constant dense<0.000000e+00> : vector<128xf32>
      %reduce_sum3A_1416 = vector.multi_reduction <add>, %mul3A_1412, %reduce_sum3A [1] : vector<128x1024xf32> to vector<128xf32>
      %broadcast_in_dim3A = vector.shape_cast %reduce_sum3A_1416 : vector<128xf32> to vector<128x1xf32>
      %add3A_1417 = arith.addf %get3A_1415, %broadcast_in_dim3A : vector<128x1xf32>
      %swap3A = arith.index_cast %mul3A_1403 : i32 to index
      %swap3A_1418 = arith.constant 0 : index
      %swap3A_1419 = vector.load %arg5[%swap3A, %swap3A_1418] : memref<10240x8xf32, #tpu.memory_space<vmem>>, vector<128x1xf32>
      tpu.vector_store %arg5[%swap3A, %swap3A_1418], %add3A_1417 {strides = array<i32>} : memref<10240x8xf32, #tpu.memory_space<vmem>>, vector<128x1xf32>,
      %mul3A_1420 = vector.broadcast %exp3A_618 : vector<1x1024xf32> to vector<128x1024xf32>
      %mul3A_1421 = arith.mulf %convert_element_type3A_1410, %mul3A_1420 : vector<128x1024xf32>
      %get3A_1422 = arith.index_cast %mul3A_1403 : i32 to index
      %get3A_1423 = arith.constant 1 : index
      %get3A_1424 = vector.load %arg5[%get3A_1422, %get3A_1423] : memref<10240x8xf32, #tpu.memory_space<vmem>>, vector<128x1xf32>
      %reduce_sum3A_1425 = arith.constant dense<0.000000e+00> : vector<128xf32>
      %reduce_sum3A_1426 = vector.multi_reduction <add>, %mul3A_1421, %reduce_sum3A_1425 [1] : vector<128x1024xf32> to vector<128xf32>
      %broadcast_in_dim3A_1427 = vector.shape_cast %reduce_sum3A_1426 : vector<128xf32> to vector<128x1xf32>
      %add3A_1428 = arith.addf %get3A_1424, %broadcast_in_dim3A_1427 : vector<128x1xf32>
      %swap3A_1429 = arith.index_cast %mul3A_1403 : i32 to index
      %swap3A_1430 = arith.constant 1 : index
      %swap3A_1431 = vector.load %arg5[%swap3A_1429, %swap3A_1430] : memref<10240x8xf32, #tpu.memory_space<vmem>>, vector<128x1xf32>
      tpu.vector_store %arg5[%swap3A_1429, %swap3A_1430], %add3A_1428 {strides = array<i32>} : memref<10240x8xf32, #tpu.memory_space<vmem>>, vector<128x1xf32>,
      %mul3A_1432 = vector.broadcast %exp3A_928 : vector<1x1024xf32> to vector<128x1024xf32>
      %mul3A_1433 = arith.mulf %convert_element_type3A_1410, %mul3A_1432 : vector<128x1024xf32>
      %get3A_1434 = arith.index_cast %mul3A_1403 : i32 to index
      %get3A_1435 = arith.constant 2 : index
      %get3A_1436 = vector.load %arg5[%get3A_1434, %get3A_1435] : memref<10240x8xf32, #tpu.memory_space<vmem>>, vector<128x1xf32>
      %reduce_sum3A_1437 = arith.constant dense<0.000000e+00> : vector<128xf32>
      %reduce_sum3A_1438 = vector.multi_reduction <add>, %mul3A_1433, %reduce_sum3A_1437 [1] : vector<128x1024xf32> to vector<128xf32>
      %broadcast_in_dim3A_1439 = vector.shape_cast %reduce_sum3A_1438 : vector<128xf32> to vector<128x1xf32>
      %add3A_1440 = arith.addf %get3A_1436, %broadcast_in_dim3A_1439 : vector<128x1xf32>
      %swap3A_1441 = arith.index_cast %mul3A_1403 : i32 to index
      %swap3A_1442 = arith.constant 2 : index
      %swap3A_1443 = vector.load %arg5[%swap3A_1441, %swap3A_1442] : memref<10240x8xf32, #tpu.memory_space<vmem>>, vector<128x1xf32>
      tpu.vector_store %arg5[%swap3A_1441, %swap3A_1442], %add3A_1440 {strides = array<i32>} : memref<10240x8xf32, #tpu.memory_space<vmem>>, vector<128x1xf32>,
      %mul3A_1444 = vector.broadcast %exp3A_1238 : vector<1x1024xf32> to vector<128x1024xf32>
      %mul3A_1445 = arith.mulf %convert_element_type3A_1410, %mul3A_1444 : vector<128x1024xf32>
      %get3A_1446 = arith.index_cast %mul3A_1403 : i32 to index
      %get3A_1447 = arith.constant 3 : index
      %get3A_1448 = vector.load %arg5[%get3A_1446, %get3A_1447] : memref<10240x8xf32, #tpu.memory_space<vmem>>, vector<128x1xf32>
      %reduce_sum3A_1449 = arith.constant dense<0.000000e+00> : vector<128xf32>
      %reduce_sum3A_1450 = vector.multi_reduction <add>, %mul3A_1445, %reduce_sum3A_1449 [1] : vector<128x1024xf32> to vector<128xf32>
      %broadcast_in_dim3A_1451 = vector.shape_cast %reduce_sum3A_1450 : vector<128xf32> to vector<128x1xf32>
      %add3A_1452 = arith.addf %get3A_1448, %broadcast_in_dim3A_1451 : vector<128x1xf32>
      %swap3A_1453 = arith.index_cast %mul3A_1403 : i32 to index
      %swap3A_1454 = arith.constant 3 : index
      %swap3A_1455 = vector.load %arg5[%swap3A_1453, %swap3A_1454] : memref<10240x8xf32, #tpu.memory_space<vmem>>, vector<128x1xf32>
      tpu.vector_store %arg5[%swap3A_1453, %swap3A_1454], %add3A_1452 {strides = array<i32>} : memref<10240x8xf32, #tpu.memory_space<vmem>>, vector<128x1xf32>,
      %concatenate3A_1456 = tpu.concatenate %mul3A_1412, %mul3A_1421, %mul3A_1433, %mul3A_1445 in 0 : vector<128x1024xf32>, vector<128x1024xf32>, vector<128x1024xf32>, vector<128x1024xf32> -> vector<512x1024xf32>
      %dot_general3A = arith.constant dense<0.000000e+00> : vector<512x128xf32>
      %dot_general3A_1457 = tpu.matmul %concatenate3A_1456, %convert_element_type3A_1325, %dot_general3A {dimension_numbers = #tpu.dot_dimension_numbers<[1], [1], [0], [0], [0, 0, 1, 0], [], []>, transpose_lhs_hint = false} : vector<512x1024xf32>, vector<128x1024xf32>, vector<512x128xf32> -> vector<512x128xf32>
      %get3A_1458 = arith.constant 0 : index
      %get3A_1459 = arith.index_cast %mul3A_1403 : i32 to index
      %get3A_1460 = arith.constant 0 : index
      %get3A_1461 = vector.load %arg4[%get3A_1458, %get3A_1459, %get3A_1460] : memref<4x10240x128xf32, #tpu.memory_space<vmem>>, vector<1x128x128xf32>
      %get3A_1462 = vector.shape_cast %get3A_1461 : vector<1x128x128xf32> to vector<128x128xf32>
      %slice3A_1463 = vector.extract_strided_slice %dot_general3A_1457 {offsets = [0, 0], sizes = [128, 128], strides = [1, 1]} : vector<512x128xf32> to vector<128x128xf32>
      %add3A_1464 = arith.addf %get3A_1462, %slice3A_1463 : vector<128x128xf32>
      %swap3A_1465 = arith.constant 0 : index
      %swap3A_1466 = arith.index_cast %mul3A_1403 : i32 to index
      %swap3A_1467 = arith.constant 0 : index
      %swap3A_1468 = vector.load %arg4[%swap3A_1465, %swap3A_1466, %swap3A_1467] : memref<4x10240x128xf32, #tpu.memory_space<vmem>>, vector<1x128x128xf32>
      %swap3A_1469 = vector.shape_cast %swap3A_1468 : vector<1x128x128xf32> to vector<128x128xf32>
      %swap3A_1470 = vector.shape_cast %add3A_1464 : vector<128x128xf32> to vector<1x128x128xf32>
      tpu.vector_store %arg4[%swap3A_1465, %swap3A_1466, %swap3A_1467], %swap3A_1470 {strides = array<i32>} : memref<4x10240x128xf32, #tpu.memory_space<vmem>>, vector<1x128x128xf32>,
      %get3A_1471 = arith.constant 1 : index
      %get3A_1472 = arith.index_cast %mul3A_1403 : i32 to index
      %get3A_1473 = arith.constant 0 : index
      %get3A_1474 = vector.load %arg4[%get3A_1471, %get3A_1472, %get3A_1473] : memref<4x10240x128xf32, #tpu.memory_space<vmem>>, vector<1x128x128xf32>
      %get3A_1475 = vector.shape_cast %get3A_1474 : vector<1x128x128xf32> to vector<128x128xf32>
      %slice3A_1476 = vector.extract_strided_slice %dot_general3A_1457 {offsets = [128, 0], sizes = [128, 128], strides = [1, 1]} : vector<512x128xf32> to vector<128x128xf32>
      %add3A_1477 = arith.addf %get3A_1475, %slice3A_1476 : vector<128x128xf32>
      %swap3A_1478 = arith.constant 1 : index
      %swap3A_1479 = arith.index_cast %mul3A_1403 : i32 to index
      %swap3A_1480 = arith.constant 0 : index
      %swap3A_1481 = vector.load %arg4[%swap3A_1478, %swap3A_1479, %swap3A_1480] : memref<4x10240x128xf32, #tpu.memory_space<vmem>>, vector<1x128x128xf32>
      %swap3A_1482 = vector.shape_cast %swap3A_1481 : vector<1x128x128xf32> to vector<128x128xf32>
      %swap3A_1483 = vector.shape_cast %add3A_1477 : vector<128x128xf32> to vector<1x128x128xf32>
      tpu.vector_store %arg4[%swap3A_1478, %swap3A_1479, %swap3A_1480], %swap3A_1483 {strides = array<i32>} : memref<4x10240x128xf32, #tpu.memory_space<vmem>>, vector<1x128x128xf32>,
      %get3A_1484 = arith.constant 2 : index
      %get3A_1485 = arith.index_cast %mul3A_1403 : i32 to index
      %get3A_1486 = arith.constant 0 : index
      %get3A_1487 = vector.load %arg4[%get3A_1484, %get3A_1485, %get3A_1486] : memref<4x10240x128xf32, #tpu.memory_space<vmem>>, vector<1x128x128xf32>
      %get3A_1488 = vector.shape_cast %get3A_1487 : vector<1x128x128xf32> to vector<128x128xf32>
      %slice3A_1489 = vector.extract_strided_slice %dot_general3A_1457 {offsets = [256, 0], sizes = [128, 128], strides = [1, 1]} : vector<512x128xf32> to vector<128x128xf32>
      %add3A_1490 = arith.addf %get3A_1488, %slice3A_1489 : vector<128x128xf32>
      %swap3A_1491 = arith.constant 2 : index
      %swap3A_1492 = arith.index_cast %mul3A_1403 : i32 to index
      %swap3A_1493 = arith.constant 0 : index
      %swap3A_1494 = vector.load %arg4[%swap3A_1491, %swap3A_1492, %swap3A_1493] : memref<4x10240x128xf32, #tpu.memory_space<vmem>>, vector<1x128x128xf32>
      %swap3A_1495 = vector.shape_cast %swap3A_1494 : vector<1x128x128xf32> to vector<128x128xf32>
      %swap3A_1496 = vector.shape_cast %add3A_1490 : vector<128x128xf32> to vector<1x128x128xf32>
      tpu.vector_store %arg4[%swap3A_1491, %swap3A_1492, %swap3A_1493], %swap3A_1496 {strides = array<i32>} : memref<4x10240x128xf32, #tpu.memory_space<vmem>>, vector<1x128x128xf32>,
      %get3A_1497 = arith.constant 3 : index
      %get3A_1498 = arith.index_cast %mul3A_1403 : i32 to index
      %get3A_1499 = arith.constant 0 : index
      %get3A_1500 = vector.load %arg4[%get3A_1497, %get3A_1498, %get3A_1499] : memref<4x10240x128xf32, #tpu.memory_space<vmem>>, vector<1x128x128xf32>
      %get3A_1501 = vector.shape_cast %get3A_1500 : vector<1x128x128xf32> to vector<128x128xf32>
      %slice3A_1502 = vector.extract_strided_slice %dot_general3A_1457 {offsets = [384, 0], sizes = [128, 128], strides = [1, 1]} : vector<512x128xf32> to vector<128x128xf32>
      %add3A_1503 = arith.addf %get3A_1501, %slice3A_1502 : vector<128x128xf32>
      %swap3A_1504 = arith.constant 3 : index
      %swap3A_1505 = arith.index_cast %mul3A_1403 : i32 to index
      %swap3A_1506 = arith.constant 0 : index
      %swap3A_1507 = vector.load %arg4[%swap3A_1504, %swap3A_1505, %swap3A_1506] : memref<4x10240x128xf32, #tpu.memory_space<vmem>>, vector<1x128x128xf32>
      %swap3A_1508 = vector.shape_cast %swap3A_1507 : vector<1x128x128xf32> to vector<128x128xf32>
      %swap3A_1509 = vector.shape_cast %add3A_1503 : vector<128x128xf32> to vector<1x128x128xf32>
      tpu.vector_store %arg4[%swap3A_1504, %swap3A_1505, %swap3A_1506], %swap3A_1509 {strides = array<i32>} : memref<4x10240x128xf32, #tpu.memory_space<vmem>>, vector<1x128x128xf32>,
    }
    %eq3A_1395 = arith.constant 159 : i32
    %eq3A_1396 = arith.cmpi eq, %arg0, %eq3A_1395 : i32
    %convert_element_type3A_1397 = arith.extui %eq3A_1396 : i1 to i32
    %cond3A_1398 = arith.constant 0 : i32
    %cond3A_1399 = arith.cmpi ne, %convert_element_type3A_1397, %cond3A_1398 : i32
    scf.if %cond3A_1399 {
      %get3A_1400 = arith.constant 0 : index
      %get3A_1401 = arith.constant 0 : index
      %get3A_1402 = vector.load %arg5[%get3A_1400, %get3A_1401] : memref<10240x8xf32, #tpu.memory_space<vmem>>, vector<10240x8xf32>
      %eq3A_1403 = arith.constant 0.000000e+00 : f32
      %eq3A_1404 = vector.broadcast %eq3A_1403 : f32 to vector<10240x8xf32>
      %eq3A_1405 = arith.cmpf oeq, %get3A_1402, %eq3A_1404 : vector<10240x8xf32>
      %jit3A_1406 = arith.constant 1.000000e+00 : f32
      %broadcast_in_dim3A = vector.broadcast %jit3A_1406 : f32 to vector<10240x8xf32>
      %select_n3A_1407 = arith.select %eq3A_1405, %broadcast_in_dim3A, %get3A_1402 : vector<10240x8xi1>, vector<10240x8xf32>
      %get3A_1408 = arith.constant 0 : index
      %get3A_1409 = arith.constant 0 : index
      %get3A_1410 = arith.constant 0 : index
      %get3A_1411 = vector.load %arg4[%get3A_1408, %get3A_1409, %get3A_1410] : memref<4x10240x128xf32, #tpu.memory_space<vmem>>, vector<1x10240x128xf32>
      %get3A_1412 = vector.shape_cast %get3A_1411 : vector<1x10240x128xf32> to vector<10240x128xf32>
      %slice3A_1413 = vector.extract_strided_slice %select_n3A_1407 {offsets = [0, 0], sizes = [10240, 1], strides = [1, 1]} : vector<10240x8xf32> to vector<10240x1xf32>
      %div3A_1414 = vector.broadcast %slice3A_1413 : vector<10240x1xf32> to vector<10240x128xf32>
      %div3A_1415 = arith.divf %get3A_1412, %div3A_1414 : vector<10240x128xf32>
      %swap3A = arith.constant 0 : index
      %swap3A_1416 = arith.constant 0 : index
      %swap3A_1417 = arith.constant 0 : index
      %swap3A_1418 = vector.load %arg4[%swap3A, %swap3A_1416, %swap3A_1417] : memref<4x10240x128xf32, #tpu.memory_space<vmem>>, vector<1x10240x128xf32>
      %swap3A_1419 = vector.shape_cast %swap3A_1418 : vector<1x10240x128xf32> to vector<10240x128xf32>
      %swap3A_1420 = vector.shape_cast %div3A_1415 : vector<10240x128xf32> to vector<1x10240x128xf32>
      tpu.vector_store %arg4[%swap3A, %swap3A_1416, %swap3A_1417], %swap3A_1420 {strides = array<i32>} : memref<4x10240x128xf32, #tpu.memory_space<vmem>>, vector<1x10240x128xf32>,
      %get3A_1421 = arith.constant 1 : index
      %get3A_1422 = arith.constant 0 : index
      %get3A_1423 = arith.constant 0 : index
      %get3A_1424 = vector.load %arg4[%get3A_1421, %get3A_1422, %get3A_1423] : memref<4x10240x128xf32, #tpu.memory_space<vmem>>, vector<1x10240x128xf32>
      %get3A_1425 = vector.shape_cast %get3A_1424 : vector<1x10240x128xf32> to vector<10240x128xf32>
      %slice3A_1426 = vector.extract_strided_slice %select_n3A_1407 {offsets = [0, 1], sizes = [10240, 1], strides = [1, 1]} : vector<10240x8xf32> to vector<10240x1xf32>
      %div3A_1427 = vector.broadcast %slice3A_1426 : vector<10240x1xf32> to vector<10240x128xf32>
      %div3A_1428 = arith.divf %get3A_1425, %div3A_1427 : vector<10240x128xf32>
      %swap3A_1429 = arith.constant 1 : index
      %swap3A_1430 = arith.constant 0 : index
      %swap3A_1431 = arith.constant 0 : index
      %swap3A_1432 = vector.load %arg4[%swap3A_1429, %swap3A_1430, %swap3A_1431] : memref<4x10240x128xf32, #tpu.memory_space<vmem>>, vector<1x10240x128xf32>
      %swap3A_1433 = vector.shape_cast %swap3A_1432 : vector<1x10240x128xf32> to vector<10240x128xf32>
      %swap3A_1434 = vector.shape_cast %div3A_1428 : vector<10240x128xf32> to vector<1x10240x128xf32>
      tpu.vector_store %arg4[%swap3A_1429, %swap3A_1430, %swap3A_1431], %swap3A_1434 {strides = array<i32>} : memref<4x10240x128xf32, #tpu.memory_space<vmem>>, vector<1x10240x128xf32>,
      %get3A_1435 = arith.constant 2 : index
      %get3A_1436 = arith.constant 0 : index
      %get3A_1437 = arith.constant 0 : index
      %get3A_1438 = vector.load %arg4[%get3A_1435, %get3A_1436, %get3A_1437] : memref<4x10240x128xf32, #tpu.memory_space<vmem>>, vector<1x10240x128xf32>
      %get3A_1439 = vector.shape_cast %get3A_1438 : vector<1x10240x128xf32> to vector<10240x128xf32>
      %slice3A_1440 = vector.extract_strided_slice %select_n3A_1407 {offsets = [0, 2], sizes = [10240, 1], strides = [1, 1]} : vector<10240x8xf32> to vector<10240x1xf32>
      %div3A_1441 = vector.broadcast %slice3A_1440 : vector<10240x1xf32> to vector<10240x128xf32>
      %div3A_1442 = arith.divf %get3A_1439, %div3A_1441 : vector<10240x128xf32>
      %swap3A_1443 = arith.constant 2 : index
      %swap3A_1444 = arith.constant 0 : index
      %swap3A_1445 = arith.constant 0 : index
      %swap3A_1446 = vector.load %arg4[%swap3A_1443, %swap3A_1444, %swap3A_1445] : memref<4x10240x128xf32, #tpu.memory_space<vmem>>, vector<1x10240x128xf32>
      %swap3A_1447 = vector.shape_cast %swap3A_1446 : vector<1x10240x128xf32> to vector<10240x128xf32>
      %swap3A_1448 = vector.shape_cast %div3A_1442 : vector<10240x128xf32> to vector<1x10240x128xf32>
      tpu.vector_store %arg4[%swap3A_1443, %swap3A_1444, %swap3A_1445], %swap3A_1448 {strides = array<i32>} : memref<4x10240x128xf32, #tpu.memory_space<vmem>>, vector<1x10240x128xf32>,
      %get3A_1449 = arith.constant 3 : index
      %get3A_1450 = arith.constant 0 : index
      %get3A_1451 = arith.constant 0 : index
      %get3A_1452 = vector.load %arg4[%get3A_1449, %get3A_1450, %get3A_1451] : memref<4x10240x128xf32, #tpu.memory_space<vmem>>, vector<1x10240x128xf32>
      %get3A_1453 = vector.shape_cast %get3A_1452 : vector<1x10240x128xf32> to vector<10240x128xf32>
      %slice3A_1454 = vector.extract_strided_slice %select_n3A_1407 {offsets = [0, 3], sizes = [10240, 1], strides = [1, 1]} : vector<10240x8xf32> to vector<10240x1xf32>
      %div3A_1455 = vector.broadcast %slice3A_1454 : vector<10240x1xf32> to vector<10240x128xf32>
      %div3A_1456 = arith.divf %get3A_1453, %div3A_1455 : vector<10240x128xf32>
      %swap3A_1457 = arith.constant 3 : index
      %swap3A_1458 = arith.constant 0 : index
      %swap3A_1459 = arith.constant 0 : index
      %swap3A_1460 = vector.load %arg4[%swap3A_1457, %swap3A_1458, %swap3A_1459] : memref<4x10240x128xf32, #tpu.memory_space<vmem>>, vector<1x10240x128xf32>
      %swap3A_1461 = vector.shape_cast %swap3A_1460 : vector<1x10240x128xf32> to vector<10240x128xf32>
      %swap3A_1462 = vector.shape_cast %div3A_1456 : vector<10240x128xf32> to vector<1x10240x128xf32>
      tpu.vector_store %arg4[%swap3A_1457, %swap3A_1458, %swap3A_1459], %swap3A_1462 {strides = array<i32>} : memref<4x10240x128xf32, #tpu.memory_space<vmem>>, vector<1x10240x128xf32>,
    } else {
    }
    return
  }
  func.func @transform_0(%arg0: i32) -> (i32, i32) {
    %c0_i32 = arith.constant 0 : i32
    %c0_i32_0 = arith.constant 0 : i32
    %c0_i32_1 = arith.constant 0 : i32
    return %c0_i32, %c0_i32_0 : i32, i32
  }
  func.func @transform_1(%arg0: i32) -> (i32, i32, i32) {
    %c0_i32 = arith.constant 0 : i32
    %c0_i32_0 = arith.constant 0 : i32
    %c0_i32_1 = arith.constant 0 : i32
    return %arg0, %c0_i32, %c0_i32_0 : i32, i32, i32
  }
  func.func @transform_2(%arg0: i32) -> (i32, i32) {
    %c0_i32 = arith.constant 0 : i32
    %c0_i32_0 = arith.constant 0 : i32
    return %c0_i32, %arg0 : i32, i32
  }
  func.func @transform_3(%arg0: i32) -> (i32, i32, i32) {
    %c0_i32 = arith.constant 0 : i32
    %c0_i32_0 = arith.constant 0 : i32
    %c0_i32_1 = arith.constant 0 : i32
    %c0_i32_2 = arith.constant 0 : i32
    return %c0_i32, %c0_i32_0, %c0_i32_1 : i32, i32, i32
  }
}

</mosaic_0001>

<sc_bundles>
// kernel: kernel.5.cloned.1.call-start
scs
__scs_entry_jumppad:
0x0: {  	(pc) =	sbr.rel $0x88, $3  }
0x1: {  	(tag) =	ssettag $0x0;
	lr =	simm.s32 $0x1  }
0x2: {  	[smem:$0x3F98] =	sst lr;
	_ =	strace $0xD0000000  }
0x3: {  	_ = 	snop  }
0x4: {  	_ = 	snop  }
0x5: {  	_ = 	snop  }
0x6: {  	_ = 	snop  }
0x7: {  	_ = 	snop  }
__scs_overlays_trampoline_lowered:
0x8: {  	[smem:$0x3FA7] =	sst s0  }
0x9: {  	[smem:$0x3FA8] =	sst s1  }
0xa: {  	[smem:$0x3FA9] =	sst s2  }
0xb: {  	[smem:$0x3FAA] =	sst s3  }
0xc: {  	[smem:$0x3FAB] =	sst s4  }
0xd: {  	[smem:$0x3FAC] =	sst s5  }
0xe: {  	[smem:$0x3FAD] =	sst s6  }
0xf: {  	[smem:$0x3FAE] =	sst s7  }
0x10: {  	[smem:$0x3FAF] =	sst s8  }
0x11: {  	[smem:$0x3FB0] =	sst s9;
	s0 =	simm.s32 @!p0 $0x0  }
0x12: {  	s1 =	sld [smem:$0x3F96];
	s0 =	simm.s32 @p0 $0x1  }
0x13: {  	[smem:$0x3FB1] =	sst s0;
	s0 =	simm.s32 @!p1 $0x0  }
0x14: {  	s2 =	sld [smem:$0x3F95];
	s0 =	simm.s32 @p1 $0x1  }
0x15: {  	[smem:$0x3FB2] =	sst s0;
	s0 =	simm.s32 @!p2 $0x0  }
0x16: {  	s3 =	sld [smem:$0x3FDB];
	s0 =	simm.s32 @p2 $0x1  }
0x17: {  	s4 =	simm.s32 $0x1BF5;
	[smem:$0x3FB4] =	sst s0  }
0x18: {  	s0 =	sld [smem:$0x3F97];
	_ =	swait.ge [sflag:s4], $0x0  }
0x19: {  	s7 =	sld [smem:$0x3F98]  }
0x1a: {  	s8 =	sadd.s32 $0xFFFFE003, lr  }
0x1b: {  	s9 =	sadd.s32 $0xFFFFFEF7, lr;
	s5 =	simm.s32 $0xFFFFFFFF;
	p2 =	slt.u32 s8, $0xFFFFF086  }
0x1c: {  	p1 =	slt.u32 s9, $0xF7A;
	s5 =	simm.s32 @!p2 $0x0  }
0x1d: {  	s5 =	simm.s32 @p1 $0x1;
	p0 =	seq.s32 s7, s2  }
0x1e: {  	s7 =	smul.u32 @!p0 $0xF7A, s2;
	p2 =	seq.s32 @!p0 s5, $0x0  }
0x1f: {  	s9 =	smul.u32 $0xF7A, s1;
	s8 =	simm.s32 @!p0 $0x1BF5;
	p2 =	por !p2, p0  }
0x20: {  	[sflag:s8] =	ssyncset.s32 @!p0 $0xFFFFF086;
	s6 =	sadd.s32 @!p0 s3, s7;
	s7 =	simm.s32 @!p0 $0x108  }
0x21: {  	s3 =	sadd.s32 s3, s9;
	s6 =	sadd.s32 @!p0 $0x88, s6;
	s7 =	simm.s32 @p2 $0x1082  }
0x22: {  	[simem:s7], [sflag:s8] =	dma.local @!p0 [hbm:s6], $0xF7A  }
0x23: {  	s9 =	sor.u32 $0xD0000000, s2;
	s6 =	simm.s32 $0x108;
	_ =	swait.ge @!p0 [sflag:s8], $0x0  }
0x24: {  	s3 =	sadd.s32 $0x88, s3;
	s6 =	simm.s32 @!p1 $0x1082;
	[sflag:s4] =	ssyncset.s32 $0xFFFFF086  }
0x25: {  	[simem:s6], [sflag:s4] =	dma.local [hbm:s3], $0xF7A  }
0x26: {  	[smem:$0x3F98] =	sst s1;
	(tag) =	ssettag s2;
	_ =	strace s9  }
0x27: {  	s1 =	sld [smem:$0x3FA8]  }
0x28: {  	s2 =	sld [smem:$0x3FA9]  }
0x29: {  	s4 =	sld [smem:$0x3FAB]  }
0x2a: {  	p0 =	seq.s32 s5, $0x0;
	s5 =	sld [smem:$0x3FAC]  }
0x2b: {  	s6 =	sld [smem:$0x3FAD]  }
0x2c: {  	s7 =	sld [smem:$0x3FAE]  }
0x2d: {  	s3 =	simm.s32 $0x108;
	s8 =	sld [smem:$0x3FAF]  }
0x2e: {  	s3 =	simm.s32 @!p0 $0x1082;
	s9 =	sld [smem:$0x3FB0]  }
0x2f: {  	lr =	sadd.s32 s0, s3;
	s0 =	sld [smem:$0x3FA7]  }
0x30: {  	s3 =	sld [smem:$0x3FAA]  }
0x31: {  	[smem:$0x3FB3] =	sst s10  }
0x32: {  	s10 =	sld [smem:$0x3FB1];
	_ =	sdelay $0x3  }
0x33: {  	p0 =	seq.s32 s10, $0x1;
	s10 =	sld [smem:$0x3FB3];
	_ =	sdelay $0x3  }
0x34: {  	[smem:$0x3FB3] =	sst s10  }
0x35: {  	s10 =	sld [smem:$0x3FB2];
	_ =	sdelay $0x3  }
0x36: {  	p1 =	seq.s32 s10, $0x1;
	s10 =	sld [smem:$0x3FB3];
	_ =	sdelay $0x3  }
0x37: {  	[smem:$0x3FB3] =	sst s10  }
0x38: {  	s10 =	sld [smem:$0x3FB4]  }
0x39: {  	_ = 	snop;
	(pc) =	sbr.ind lr, $3  }
0x3a: {  	_ = 	snop  }
0x3b: {  	_ = 	snop  }
0x3c: {  	p2 =	seq.s32 s10, $0x1;
	s10 =	sld [smem:$0x3FB3]  }
0x3d: {  	_ =	shalt  }
0x3e: {  	_ =	shalt  }
0x3f: {  	_ =	shalt  }
0x40: {  	_ =	shalt  }
0x41: {  	_ =	shalt  }
0x42: {  	_ =	shalt  }
0x43: {  	_ =	shalt  }
0x44: {  	_ =	shalt  }
0x45: {  	_ =	shalt  }
0x46: {  	_ =	shalt  }
0x47: {  	_ =	shalt  }
0x48: {  	_ =	shalt  }
0x49: {  	_ =	shalt  }
0x4a: {  	_ =	shalt  }
0x4b: {  	_ =	shalt  }
0x4c: {  	_ =	shalt  }
0x4d: {  	_ =	shalt  }
0x4e: {  	_ =	shalt  }
0x4f: {  	_ =	shalt  }
0x50: {  	_ =	shalt  }
0x51: {  	_ =	shalt  }
0x52: {  	_ =	shalt  }
0x53: {  	_ =	shalt  }
0x54: {  	_ =	shalt  }
0x55: {  	_ =	shalt  }
0x56: {  	_ =	shalt  }
0x57: {  	_ =	shalt  }
0x58: {  	_ =	shalt  }
0x59: {  	_ =	shalt  }
0x5a: {  	_ =	shalt  }
0x5b: {  	_ =	shalt  }
0x5c: {  	_ =	shalt  }
0x5d: {  	_ =	shalt  }
0x5e: {  	_ =	shalt  }
0x5f: {  	_ =	shalt  }
0x60: {  	_ =	shalt  }
0x61: {  	_ =	shalt  }
0x62: {  	_ =	shalt  }
0x63: {  	_ =	shalt  }
0x64: {  	_ =	shalt  }
0x65: {  	_ =	shalt  }
0x66: {  	_ =	shalt  }
0x67: {  	_ =	shalt  }
0x68: {  	_ =	shalt  }
0x69: {  	_ =	shalt  }
0x6a: {  	_ =	shalt  }
0x6b: {  	_ =	shalt  }
0x6c: {  	_ =	shalt  }
0x6d: {  	_ =	shalt  }
0x6e: {  	_ =	shalt  }
0x6f: {  	_ =	shalt  }
0x70: {  	_ =	shalt  }
0x71: {  	_ =	shalt  }
0x72: {  	_ =	shalt  }
0x73: {  	_ =	shalt  }
0x74: {  	_ =	shalt  }
0x75: {  	_ =	shalt  }
0x76: {  	_ =	shalt  }
0x77: {  	_ =	shalt  }
0x78: {  	_ =	shalt  }
0x79: {  	_ =	shalt  }
0x7a: {  	_ =	shalt  }
0x7b: {  	_ =	shalt  }
0x7c: {  	_ =	shalt  }
0x7d: {  	_ =	shalt  }
0x7e: {  	_ =	shalt  }
0x7f: {  	_ =	shalt  }
0x80: {  	_ =	shalt  }
0x81: {  	_ =	shalt  }
0x82: {  	_ =	shalt  }
0x83: {  	_ =	shalt  }
0x84: {  	_ =	shalt  }
0x85: {  	_ =	shalt  }
0x86: {  	_ =	shalt  }
0x87: {  	_ =	shalt  }
.Lfunc_end0:
.L_simem_size_0:
called_computation_lowered:
.L_overlay_start_0:
0x88: {  	s2 =	sld [smem:$0x3FD9]  }
0x89: {  	s3 =	sld [smem:$0x3FFE];
	_ =	sdelay $0x1  }
0x8a: {  	s1 =	srdreg.scid  }
0x8b: {  	s0 =	sand.u32 $0x1, s1  }
0x8c: {  	s17 =	sshll.u32 s0, $0xA;
	s2 =	sadd.s32 s3, s2  }
0x8d: {  	s2 =	sadd.s32 s2, s17  }
0x8e: {  	[smem:$0x3FBF] =	sst s2  }
0x8f: {  	_ = 	snop  }
0x90: {  	s2 =	sld [smem:$0x3FD0];
	(tm) =	ssettm $0x1  }
0x91: {  	s18 =	sld [smem:$0x3FFB];
	_ =	sdelay $0x3  }
0x92: {  	_ =	strace s18  }
0x93: {  	s3 =	sld [smem:$0x3FFC];
	_ =	sdelay $0x3  }
0x94: {  	_ =	strace s3  }
0x95: {  	s3 =	sld [smem:$0x3FFD];
	_ =	sdelay $0x3  }
0x96: {  	_ =	strace s3  }
0x97: {  	_ =	strace $0x8FFFFFFF  }
0x98: {  	s19 =	sld [smem:$0x3FDB];
	_ =	sdelay $0x1  }
0x99: {  	s4 =	simm.s32 $_scs_section_size  }
0x9a: {  	s5 =	simm.s32 $_size__tile_overlayer_lowered;
	s6 =	simm.s32 $_tile_overlayer_lowered  }
0x9b: {  	s22 =	simm.s32 $0x1BFF;
	s21 =	sshll.u32 s6, $0x1;
	s3 =	sadd.s32 s4, s19  }
0x9c: {  	s7 =	simm.s32 $0x0;
	s20 =	sshll.u32 s5, $0x1;
	s5 =	sadd.s32 s21, s3  }
0x9d: {  	[timem:s7], [sflag:s22] =	dma.local [hbm:s5], s20  }
0x9e: {  	_ =	swait.ge [sflag:s22], s20  }
0x9f: {  	s4 =	ssub.s32 $0x0, s20;
	[sflag:s22] =	ssyncset.done $0x0  }
0xa0: {  	[sflag:s22] =	ssyncadd.s32 s4;
	_ =	sdelay $0x1  }
0xa1: {  	s23 =	simm.s32 $0x1B8B  }
0xa2: {  	_ =	swait.ge [sflag:s23], $0x1  }
0xa3: {  	[sflag:s23] =	ssyncset.done $0x0  }
0xa4: {  	s25 =	simm.s32 $0x1B8E;
	s24 =	sld [smem:$0x3FFE];
	[sflag:s23] =	ssyncadd.s32 $0xFFFFFFFF  }
0xa5: {  	s26 =	simm.s32 $execute0_lowered;
	[smem:$0x3FD2] =	sst s25  }
0xa6: {  	s5 =	sshll.u32 s26, $0x1;
	_ =	strace $0x80000046;
	[dreg:$0x1] =	wrdreg $0xFFFFFFFF  }
0xa7: {  	s28 =	simm.s32 $_size_execute0_lowered;
	s3 =	sadd.s32 s3, s5;
	[dreg:$0x0] =	wrdreg $0x0  }
0xa8: {  	s5 =	sshll.u32 s28, $0x1;
	[dreg:$0x2] =	wrdreg s3  }
0xa9: {  	[dreg:$0x3] =	wrdreg s5  }
0xaa: {  	[dreg:$0x4] =	wrdreg $0xC0  }
0xab: {  	_ =	task [dreg:s7], $0x5FFFF  }
0xac: {  	[dreg:$0x1] =	wrdreg $0xFFFFFFFF  }
0xad: {  	[dreg:$0x0] =	wrdreg $0x60  }
0xae: {  	[dreg:$0x2] =	wrdreg s24  }
0xaf: {  	[dreg:$0x3] =	wrdreg s2  }
0xb0: {  	[dreg:$0x4] =	wrdreg $0x9  }
0xb1: {  	_ =	task.clear_ibuf [dreg:s7], $0x5FFFF;
	_ =	strace $0x90000046  }
0xb2: {  	s29 =	simm.s32 $0x9;
	_ =	strace $0x80000048  }
0xb3: {  	_ =	swait.ge [sflag:s29], $0x1  }
0xb4: {  	[sflag:s29] =	ssyncadd.s32 $0xFFFFFFFF  }
0xb5: {  	_ =	strace $0x90000048  }
0xb6: {  	_ =	sfence  }
0xb7: {  	s30 =	sld [smem:$0x0];
	_ =	sdelay $0x2  }
0xb8: {  	s31 =	sshll.u32 s1, $0xD;
	s1 =	sshrl.u32 s1, $0x2  }
0xb9: {  	s3 =	sand.u32 $0x4000, s31;
	s1 =	sadd.s32 s1, s30  }
0xba: {  	s0 =	sor.u32 s3, s0;
	s1 =	sshll.u32 s1, $0x11  }
0xbb: {  	s0 =	sor.u32 s1, s0  }
0xbc: {  	s0 =	sadd.s32 $0x8F2B, s0  }
0xbd: {  	[sflag:s0] =	ssyncadd.remote.s32 $0x1  }
0xbe: {  	_ =	sfence.sel $0xFFFF  }
0xbf: {  	[dreg:$0x0] =	wrdreg $0xFFFFFFFF;
	(pc) =	sbr.abs _section_cstart, $3  }
0xc0: {  	[dreg:$0x1] =	wrdreg $0xFFFFFFFF  }
0xc1: {  	_ =	task.clear_ibuf [dreg:s7], $0x2FFFF;
	_ =	strace $0x9FFFFFFF  }
0xc2: {  	(tm) =	ssettm $0x7FFFFFFF  }
0xc3: {  	_ =	shalt  }
tec
execute0_lowered:
.L_overlay_start_1:
0x0: {  	(tag) =	ssettag $0x1  }
0x1: {  	s1 =	srdreg.scid  }
0x2: {  	s0 =	stileid.u32;
	s2 =	rddreg [dreg:$0x0]  }
0x3: {  	s5 =	rddreg [dreg:$0x1];
	s3 =	sand.u32 $0x1, s1;
	s4 =	smul.u32 $0x2800, s0  }
0x4: {  	s9 =	simm.s32 $0x1;
	s10 =	simm.s32 $0x0;
	s6 =	smul.u32 $0x1400, s3  }
0x5: {  	s1 =	rddreg [dreg:$0x2];
	s7 =	ssub.s32 $0x2, s3;
	s3 =	simm.s32 $0x0  }
0x6: {  	s30 =	sshrl.u32 s7, $0x1;
	[smem:$0x7FF] =	sst s3;
	s6 =	sadd.s32 s6, s4  }
0x7: {  	s4 =	ssub.s32 s7, s30;
	_ =	strace $0x80000047;
	s8 =	sshrl.u32 s6, $0x3  }
0x8: {  	s7 =	simm.s32 $0x2;
	s4 =	smax.u32 s4, $0x1;
	s31 =	sadd.s32 s8, s2  }
0x9: {  	s5 =	sadd.s32 s5, s6;
	s8 =	simm.s32 $0x80;
	s6 =	sadd.s32 $0xC400, s31  }
.LBB2_1:
0xa: {  	s11 =	sadd.s32 $0x0, s6  }
0xb: {  	[tilespmem:s3], [sflag:$0x2] =	stream.linear.gather [hbm4b:s11+s3], $0x80, $0x38;
	[tilespmem:$0x480] =	vst v63  }
0xc: {  	_ =	swait.ge [sflag:s7], $0x80  }
0xd: {  	[sflag:s7] =	ssyncset.done $0x0  }
0xe: {  	[sflag:s7] =	ssyncadd.s32 $0xFFFFFF80  }
0xf: {  	[tilespmem:s8], [sflag:$0x1] =	stream.indirect.gather [hbm4b:s2+s8], $0x8, s3, s8, $0xb8;
	[tilespmem:$0x480] =	vst v63  }
0x10: {  	_ =	swait.ge [sflag:s9], $0x400  }
0x11: {  	[sflag:s9] =	ssyncset.done $0x0  }
0x12: {  	[sflag:s9] =	ssyncadd.s32 $0xFFFFFC00  }
0x13: {  	[hbm4b:s5+s3] =	stream.linear.scatter [tilespmem:s8], [sflag:$0x2], $0x400, $0x38;
	[tilespmem:$0x480] =	vst v63  }
0x14: {  	s12 =	simm.s32 $0x10;
	_ =	swait.ge [sflag:s7], $0x400  }
0x15: {  	s13 =	simm.s32 $0x20;
	s11 =	sadd.s32 $0x80, s5;
	[sflag:s7] =	ssyncset.done $0x0  }
.LBB2_2:
0x16: {  	s14 =	sadd.s32 s12, s6  }
0x17: {  	[sflag:s7] =	ssyncadd.s32 $0xFFFFFC00;
	s12 =	smov.u32 s13;
	s15 =	sadd.s32 $0x10, s13  }
0x18: {  	[tilespmem:s3], [sflag:$0x2] =	stream.linear.gather [hbm4b:s14+s3], $0x80, $0x38;
	[tilespmem:$0x480] =	vst v63  }
0x19: {  	p0 =	sne.s32 s13, $0x270;
	_ =	swait.ge [sflag:s7], $0x80  }
0x1a: {  	[sflag:s7] =	ssyncset.done $0x0  }
0x1b: {  	[sflag:s7] =	ssyncadd.s32 $0xFFFFFF80  }
0x1c: {  	[tilespmem:s8], [sflag:$0x1] =	stream.indirect.gather [hbm4b:s2+s8], $0x8, s3, s8, $0xb8;
	[tilespmem:$0x480] =	vst v63  }
0x1d: {  	_ =	swait.ge [sflag:s9], $0x400  }
.Ltmp0:
0x1e: {  	[sflag:s9] =	ssyncset.done $0x0;
	(pc) =	sbr.rel @p0 .LBB2_2-.Ltmp0, $4  }
0x1f: {  	[sflag:s9] =	ssyncadd.s32 $0xFFFFFC00  }
0x20: {  	[hbm4b:s11+s3] =	stream.linear.scatter [tilespmem:s8], [sflag:$0x2], $0x400, $0x38;
	[tilespmem:$0x480] =	vst v63  }
0x21: {  	_ =	swait.ge [sflag:s7], $0x400  }
0x22: {  	s13 =	smov.u32 s15;
	s11 =	sadd.s32 $0x80, s11;
	[sflag:s7] =	ssyncset.done $0x0  }
0x23: {  	s12 =	sadd.s32 s12, s6;
	[sflag:s7] =	ssyncadd.s32 $0xFFFFFC00  }
0x24: {  	[tilespmem:s3], [sflag:$0x2] =	stream.linear.gather [hbm4b:s12+s3], $0x80, $0x38;
	[tilespmem:$0x480] =	vst v63  }
0x25: {  	_ =	swait.ge [sflag:s7], $0x80  }
0x26: {  	[sflag:s7] =	ssyncset.done $0x0  }
0x27: {  	[sflag:s7] =	ssyncadd.s32 $0xFFFFFF80  }
0x28: {  	[tilespmem:s8], [sflag:$0x1] =	stream.indirect.gather [hbm4b:s2+s8], $0x8, s3, s8, $0xb8;
	[tilespmem:$0x480] =	vst v63  }
0x29: {  	s10 =	sadd.s32 $0x1, s10;
	_ =	swait.ge [sflag:s9], $0x400  }
0x2a: {  	p0 =	sne.s32 s10, s4;
	[sflag:s9] =	ssyncset.done $0x0  }
.Ltmp1:
0x2b: {  	[sflag:s9] =	ssyncadd.s32 $0xFFFFFC00;
	(pc) =	sbr.rel @p0 .LBB2_1-.Ltmp1, $4  }
0x2c: {  	[hbm4b:s11+s3] =	stream.linear.scatter [tilespmem:s8], [sflag:$0x2], $0x400, $0x38;
	[tilespmem:$0x480] =	vst v63  }
0x2d: {  	_ =	swait.ge [sflag:s7], $0x400  }
0x2e: {  	[sflag:s7] =	ssyncset.done $0x0  }
0x2f: {  	[sflag:s7] =	ssyncadd.s32 $0xFFFFFC00  }
0x30: {  	_ =	sfence.sel $0x180000  }
0x31: {  	[bflag:$0x0] =	sbarrier.arrive $0xFFFF  }
0x32: {  	p0 =	sne.s32 s0, $0x0;
	_ =	strace $0x90000047  }
0x33: {  	s0 =	sadd.s32 @!p0 $0x100000, s1;
	[bflag:$0x2] =	sbarrier.arrive $0xFFFF  }
0x34: {  	[sflag:s0] =	ssyncadd.tile.s32 @!p0 $0x1;
	_ =	shalt  }
.Lfunc_end2:
_tile_overlayer_lowered:
.L_overlay_start_2:
0x35: {  	(tag) =	ssettag $0x2  }
0x36: {  	s0 =	rddreg [dreg:$0x0];
	s2 =	stileid.u32  }
0x37: {  	s1 =	rddreg [dreg:$0x1];
	p0 =	sne.s32 s2, $0x0  }
0x38: {  	s3 =	rddreg [dreg:$0x2];
	[bflag:$0x3] =	sbarrier.arrive $0xFFFF;
	s2 =	simm.s32 @!p0 $0x1C02  }
0x39: {  	[timem:s3], [sflag:s2] =	dma.local @!p0 [hbm:s0], s1  }
0x3a: {  	s0 =	simm.s32 @!p0 $0x2  }
0x3b: {  	_ =	swait.ge @!p0 [sflag:s0], s1  }
0x3c: {  	s1 =	ssub.s32 @!p0 $0x0, s1;
	[sflag:s0] =	ssyncset.done @!p0 $0x0  }
0x3d: {  	[sflag:s0] =	ssyncadd.s32 @!p0 s1  }
0x3e: {  	[bflag:$0x3] =	sbarrier.arrive $0xFFFF  }
0x3f: {  	_ =	shalt  }

</sc_bundles>
